<compile_context>
chip_gen: v7x
topology: tpu7x:2x2x1
jax: 0.10.2.dev20260603
libtpu: 0.0.44.dev20260713+nightly
codegen_flags: <defaults>
</compile_context>

<pallas_src>
import functools

import jax
import jax.numpy as jnp
from jax import lax
from jax.experimental import pallas as pl
from jax.experimental.pallas import tpu as pltpu
from jax.experimental.pallas import tpu_sc as plsc

_NC = 2
_NS = 16
_NW = _NC * _NS
_CHUNK = 128


@functools.lru_cache(maxsize=None)
def _build(n, d, n_out_rows):
    per_w = n // _NW
    nch = per_w // _CHUNK
    k_grp = 5
    group = k_grp * _CHUNK
    ng = per_w // group
    mesh = plsc.VectorSubcoreMesh(core_axis_name="c", subcore_axis_name="s")

    @functools.partial(
        pl.kernel,
        out_type=jax.ShapeDtypeStruct((n_out_rows, d), jnp.float32),
        mesh=mesh,
        compiler_params=pltpu.CompilerParams(use_tc_tiling_on_sc=False),
        scratch_types=[
            pltpu.VMEM((2 * nch, _CHUNK), jnp.int32),
            pltpu.VMEM((group, d), jnp.float32),
            pltpu.VMEM((group, d), jnp.float32),
            pltpu.SemaphoreType.DMA,
            pltpu.SemaphoreType.DMA,
            pltpu.SemaphoreType.DMA,
        ],
    )
    def grab(meta_hbm, table_hbm, out_hbm, meta_v,
             rows0, rows1, gsem, wsem0, wsem1):
        wid = lax.axis_index("s") * _NC + lax.axis_index("c")
        pltpu.sync_copy(meta_hbm.at[pl.ds(wid * 2 * nch, 2 * nch)], meta_v)

        rows = (rows0, rows1)
        wsem = (wsem0, wsem1)

        def slot(g, b, first):
            if not first:
                pltpu.make_async_copy(
                    rows[b], out_hbm.at[pl.ds(0, group)], wsem[b]
                ).wait()
            descs = []
            for c in range(k_grp):
                descs.append(
                    pltpu.async_copy(
                        table_hbm.at[meta_v.at[g * k_grp + c]],
                        rows[b].at[pl.ds(c * _CHUNK, _CHUNK)],
                        gsem,
                    )
                )
            for c in range(k_grp):
                descs[c].wait()
                pltpu.async_copy(
                    rows[b].at[pl.ds(c * _CHUNK, _CHUNK)],
                    out_hbm.at[meta_v.at[nch + g * k_grp + c]],
                    wsem[b],
                )

        slot(0, 0, True)
        slot(1, 1, True)

        def body(g2, carry):
            slot(2 * g2, 0, False)
            slot(2 * g2 + 1, 1, False)
            return carry

        lax.fori_loop(1, ng // 2, body, 0)

        pltpu.make_async_copy(
            rows0, out_hbm.at[pl.ds(0, group)], wsem0
        ).wait()
        pltpu.make_async_copy(
            rows1, out_hbm.at[pl.ds(0, group)], wsem1
        ).wait()

    return grab


@jax.jit
def kernel(x, table):
    b, h = x.shape
    d = table.shape[1]
    n = b * h
    hpad = ((h + 7) // 8) * 8
    dpad = 128
    sub = dpad // d
    per_w = n // _NW
    nch = per_w // _CHUNK
    idx = x.reshape(-1).astype(jnp.int32)
    r = jnp.arange(n, dtype=jnp.int32)
    srow = sub * ((r // h) * hpad + (r % h))
    meta = jnp.concatenate(
        [idx.reshape(_NW, nch, _CHUNK), srow.reshape(_NW, nch, _CHUNK)],
        axis=1,
    ).reshape(-1, _CHUNK)
    out = _build(n, d, b * hpad * sub)(meta, table)
    return out.reshape(b, hpad, dpad)[:, :h, :d]

# --- scband reference (transcript-rebuilt; emitter-appended) ---
"""Pipeline reference for scband-character-embeddings-67808943669728 (READ-ONLY COPY).

The authoritative reference and input builder live on the scoring server;
editing this copy changes nothing except your own understanding.
"""

import jax, jax.numpy as jnp
import numpy as np

VOCAB = 100000
EMBED_DIM = 64
BATCH = 4096
HIST = 50

def setup_inputs(seed: int = 0) -> dict:
    key = jax.random.key(seed)
    k_idx, k_tab = jax.random.split(key)
    x = jax.random.randint(k_idx, (BATCH, HIST), 0, VOCAB, dtype=jnp.int64)
    table = jax.random.normal(k_tab, (VOCAB, EMBED_DIM), dtype=jnp.float32)
    return {"x": x, "table": table}

def reference(x, table):
    # nn.Embedding forward: gather rows of the table by index
    return jnp.take(table, x, axis=0)

if __name__ == "__main__":
    import jax
    _d = setup_inputs()
    print(jax.jit(kernel)(*tuple(_d.values())))

</pallas_src>

<mosaic_0001>
#map = affine_map<(d0, d1) -> (0, 0)>
module attributes {stable_mosaic.version = 14 : i64} {
  func.func @grab(%arg0: i32, %arg1: i32, %arg2: memref<3200x128xi32, #tpu.memory_space<hbm>>, %arg3: memref<100000x64xf32, #tpu.memory_space<hbm>>, %arg4: memref<458752x64xf32, #tpu.memory_space<hbm>>, %arg5: memref<100x128xi32, #tpu.memory_space<vmem>>, %arg6: memref<640x64xf32, #tpu.memory_space<vmem>>, %arg7: memref<640x64xf32, #tpu.memory_space<vmem>>, %arg8: memref<!tpu.dma_semaphore, #tpu.memory_space<semaphore_mem>>, %arg9: memref<!tpu.dma_semaphore, #tpu.memory_space<semaphore_mem>>, %arg10: memref<!tpu.dma_semaphore, #tpu.memory_space<semaphore_mem>>) attributes {dimension_semantics = [#tpu.dimension_semantics<core_parallel>, #tpu.dimension_semantics<subcore_parallel>], iteration_bounds = array<i64: 2, 16>, scalar_prefetch = 0 : i64, scratch_operands = 6 : i64, tpu.core_type = #tpu.core_type<sc_vector_subcore>, window_params = [{transform_indices = #map}, {transform_indices = #map}, {transform_indices = #map}]} {
    %mul3A = arith.constant 2 : i32
    %mul3A_0 = arith.muli %arg1, %mul3A : i32
    %add3A = arith.addi %mul3A_0, %arg0 : i32
    %mul3A_1 = arith.constant 2 : i32
    %mul3A_2 = arith.muli %add3A, %mul3A_1 : i32
    %mul3A_3 = arith.constant 50 : i32
    %mul3A_4 = arith.muli %mul3A_2, %mul3A_3 : i32
    "tpu.region"() ({
      %run_scoped3A = tpu.sem_alloc : memref<!tpu.dma_semaphore, #tpu.memory_space<semaphore_mem>>
      %dma_start3A_320 = arith.constant 0 : i32
      %dma_start3A_321 = tpu.memref_slice %arg2[%mul3A_4, %dma_start3A_320] : memref<3200x128xi32, #tpu.memory_space<hbm>> -> memref<100x128xi32, #tpu.memory_space<hbm>>
      %dma_start3A_322 = arith.constant 0 : i32
      %dma_start3A_323 = tpu.memref_slice %arg2[%mul3A_4, %dma_start3A_322] : memref<3200x128xi32, #tpu.memory_space<hbm>> -> memref<100x128xi32, #tpu.memory_space<hbm>>
      tpu.enqueue_dma source(%dma_start3A_323 : memref<100x128xi32, #tpu.memory_space<hbm>>) target(%arg5 : memref<100x128xi32, #tpu.memory_space<vmem>>) target_semaphore(%run_scoped3A : memref<!tpu.dma_semaphore, #tpu.memory_space<semaphore_mem>>)
      %dma_wait3A_324 = arith.constant 0 : i32
      %dma_wait3A_325 = tpu.memref_slice %arg2[%mul3A_4, %dma_wait3A_324] : memref<3200x128xi32, #tpu.memory_space<hbm>> -> memref<100x128xi32, #tpu.memory_space<hbm>>
      %dma_wait3A_326 = arith.constant 0 : i32
      %dma_wait3A_327 = tpu.memref_slice %arg2[%mul3A_4, %dma_wait3A_326] : memref<3200x128xi32, #tpu.memory_space<hbm>> -> memref<100x128xi32, #tpu.memory_space<hbm>>
      tpu.wait_dma2 semaphore(%run_scoped3A : memref<!tpu.dma_semaphore, #tpu.memory_space<semaphore_mem>>) src(%dma_wait3A_327 : memref<100x128xi32, #tpu.memory_space<hbm>>) dst(%arg5 : memref<100x128xi32, #tpu.memory_space<vmem>>)
      tpu.yield
    }) : () -> ()
    %dma_start3A = arith.constant 0 : i32
    %dma_start3A_5 = arith.constant 0 : i32
    %dma_start3A_6 = arith.constant 0 : i32
    %dma_start3A_7 = tpu.memref_slice %arg6[%dma_start3A_5, %dma_start3A_6] : memref<640x64xf32, #tpu.memory_space<vmem>> -> memref<128x64xf32, #tpu.memory_space<vmem>>
    %dma_start3A_8 = arith.constant 0 : i32
    %dma_start3A_9 = tpu.memref_slice %arg5[%dma_start3A, %dma_start3A_8] : memref<100x128xi32, #tpu.memory_space<vmem>> -> memref<1x128xi32, #tpu.memory_space<vmem>>
    %dma_start3A_10 = tpu.memref_squeeze %dma_start3A_9 : memref<1x128xi32, #tpu.memory_space<vmem>> -> memref<128xi32, #tpu.memory_space<vmem>>
    %dma_start3A_11 = arith.constant 0 : i32
    %dma_start3A_12 = arith.constant 0 : i32
    %dma_start3A_13 = tpu.memref_slice %arg3[%dma_start3A_11, %dma_start3A_12] : memref<100000x64xf32, #tpu.memory_space<hbm>> -> memref<100000x64xf32, #tpu.memory_space<hbm>>
    tpu.enqueue_indirect_dma source(%dma_start3A_13 : memref<100000x64xf32, #tpu.memory_space<hbm>>) target(%dma_start3A_7 : memref<128x64xf32, #tpu.memory_space<vmem>>) offsets(%dma_start3A_10 : memref<128xi32, #tpu.memory_space<vmem>>) semaphore(%arg8 : memref<!tpu.dma_semaphore, #tpu.memory_space<semaphore_mem>>)
    %dma_start3A_14 = arith.constant 1 : i32
    %dma_start3A_15 = arith.constant 128 : i32
    %dma_start3A_16 = arith.constant 0 : i32
    %dma_start3A_17 = tpu.memref_slice %arg6[%dma_start3A_15, %dma_start3A_16] : memref<640x64xf32, #tpu.memory_space<vmem>> -> memref<128x64xf32, #tpu.memory_space<vmem>>
    %dma_start3A_18 = arith.constant 0 : i32
    %dma_start3A_19 = tpu.memref_slice %arg5[%dma_start3A_14, %dma_start3A_18] : memref<100x128xi32, #tpu.memory_space<vmem>> -> memref<1x128xi32, #tpu.memory_space<vmem>>
    %dma_start3A_20 = tpu.memref_squeeze %dma_start3A_19 : memref<1x128xi32, #tpu.memory_space<vmem>> -> memref<128xi32, #tpu.memory_space<vmem>>
    %dma_start3A_21 = arith.constant 0 : i32
    %dma_start3A_22 = arith.constant 0 : i32
    %dma_start3A_23 = tpu.memref_slice %arg3[%dma_start3A_21, %dma_start3A_22] : memref<100000x64xf32, #tpu.memory_space<hbm>> -> memref<100000x64xf32, #tpu.memory_space<hbm>>
    tpu.enqueue_indirect_dma source(%dma_start3A_23 : memref<100000x64xf32, #tpu.memory_space<hbm>>) target(%dma_start3A_17 : memref<128x64xf32, #tpu.memory_space<vmem>>) offsets(%dma_start3A_20 : memref<128xi32, #tpu.memory_space<vmem>>) semaphore(%arg8 : memref<!tpu.dma_semaphore, #tpu.memory_space<semaphore_mem>>)
    %dma_start3A_24 = arith.constant 2 : i32
    %dma_start3A_25 = arith.constant 256 : i32
    %dma_start3A_26 = arith.constant 0 : i32
    %dma_start3A_27 = tpu.memref_slice %arg6[%dma_start3A_25, %dma_start3A_26] : memref<640x64xf32, #tpu.memory_space<vmem>> -> memref<128x64xf32, #tpu.memory_space<vmem>>
    %dma_start3A_28 = arith.constant 0 : i32
    %dma_start3A_29 = tpu.memref_slice %arg5[%dma_start3A_24, %dma_start3A_28] : memref<100x128xi32, #tpu.memory_space<vmem>> -> memref<1x128xi32, #tpu.memory_space<vmem>>
    %dma_start3A_30 = tpu.memref_squeeze %dma_start3A_29 : memref<1x128xi32, #tpu.memory_space<vmem>> -> memref<128xi32, #tpu.memory_space<vmem>>
    %dma_start3A_31 = arith.constant 0 : i32
    %dma_start3A_32 = arith.constant 0 : i32
    %dma_start3A_33 = tpu.memref_slice %arg3[%dma_start3A_31, %dma_start3A_32] : memref<100000x64xf32, #tpu.memory_space<hbm>> -> memref<100000x64xf32, #tpu.memory_space<hbm>>
    tpu.enqueue_indirect_dma source(%dma_start3A_33 : memref<100000x64xf32, #tpu.memory_space<hbm>>) target(%dma_start3A_27 : memref<128x64xf32, #tpu.memory_space<vmem>>) offsets(%dma_start3A_30 : memref<128xi32, #tpu.memory_space<vmem>>) semaphore(%arg8 : memref<!tpu.dma_semaphore, #tpu.memory_space<semaphore_mem>>)
    %dma_start3A_34 = arith.constant 3 : i32
    %dma_start3A_35 = arith.constant 384 : i32
    %dma_start3A_36 = arith.constant 0 : i32
    %dma_start3A_37 = tpu.memref_slice %arg6[%dma_start3A_35, %dma_start3A_36] : memref<640x64xf32, #tpu.memory_space<vmem>> -> memref<128x64xf32, #tpu.memory_space<vmem>>
    %dma_start3A_38 = arith.constant 0 : i32
    %dma_start3A_39 = tpu.memref_slice %arg5[%dma_start3A_34, %dma_start3A_38] : memref<100x128xi32, #tpu.memory_space<vmem>> -> memref<1x128xi32, #tpu.memory_space<vmem>>
    %dma_start3A_40 = tpu.memref_squeeze %dma_start3A_39 : memref<1x128xi32, #tpu.memory_space<vmem>> -> memref<128xi32, #tpu.memory_space<vmem>>
    %dma_start3A_41 = arith.constant 0 : i32
    %dma_start3A_42 = arith.constant 0 : i32
    %dma_start3A_43 = tpu.memref_slice %arg3[%dma_start3A_41, %dma_start3A_42] : memref<100000x64xf32, #tpu.memory_space<hbm>> -> memref<100000x64xf32, #tpu.memory_space<hbm>>
    tpu.enqueue_indirect_dma source(%dma_start3A_43 : memref<100000x64xf32, #tpu.memory_space<hbm>>) target(%dma_start3A_37 : memref<128x64xf32, #tpu.memory_space<vmem>>) offsets(%dma_start3A_40 : memref<128xi32, #tpu.memory_space<vmem>>) semaphore(%arg8 : memref<!tpu.dma_semaphore, #tpu.memory_space<semaphore_mem>>)
    %dma_start3A_44 = arith.constant 4 : i32
    %dma_start3A_45 = arith.constant 512 : i32
    %dma_start3A_46 = arith.constant 0 : i32
    %dma_start3A_47 = tpu.memref_slice %arg6[%dma_start3A_45, %dma_start3A_46] : memref<640x64xf32, #tpu.memory_space<vmem>> -> memref<128x64xf32, #tpu.memory_space<vmem>>
    %dma_start3A_48 = arith.constant 0 : i32
    %dma_start3A_49 = tpu.memref_slice %arg5[%dma_start3A_44, %dma_start3A_48] : memref<100x128xi32, #tpu.memory_space<vmem>> -> memref<1x128xi32, #tpu.memory_space<vmem>>
    %dma_start3A_50 = tpu.memref_squeeze %dma_start3A_49 : memref<1x128xi32, #tpu.memory_space<vmem>> -> memref<128xi32, #tpu.memory_space<vmem>>
    %dma_start3A_51 = arith.constant 0 : i32
    %dma_start3A_52 = arith.constant 0 : i32
    %dma_start3A_53 = tpu.memref_slice %arg3[%dma_start3A_51, %dma_start3A_52] : memref<100000x64xf32, #tpu.memory_space<hbm>> -> memref<100000x64xf32, #tpu.memory_space<hbm>>
    tpu.enqueue_indirect_dma source(%dma_start3A_53 : memref<100000x64xf32, #tpu.memory_space<hbm>>) target(%dma_start3A_47 : memref<128x64xf32, #tpu.memory_space<vmem>>) offsets(%dma_start3A_50 : memref<128xi32, #tpu.memory_space<vmem>>) semaphore(%arg8 : memref<!tpu.dma_semaphore, #tpu.memory_space<semaphore_mem>>)
    %dma_wait3A = arith.constant 0 : i32
    %dma_wait3A_54 = arith.constant 0 : i32
    %dma_wait3A_55 = arith.constant 0 : i32
    %dma_wait3A_56 = tpu.memref_slice %arg6[%dma_wait3A_54, %dma_wait3A_55] : memref<640x64xf32, #tpu.memory_space<vmem>> -> memref<128x64xf32, #tpu.memory_space<vmem>>
    %dma_wait3A_57 = arith.constant 0 : i32
    %dma_wait3A_58 = tpu.memref_slice %arg5[%dma_wait3A, %dma_wait3A_57] : memref<100x128xi32, #tpu.memory_space<vmem>> -> memref<1x128xi32, #tpu.memory_space<vmem>>
    %dma_wait3A_59 = tpu.memref_squeeze %dma_wait3A_58 : memref<1x128xi32, #tpu.memory_space<vmem>> -> memref<128xi32, #tpu.memory_space<vmem>>
    %dma_wait3A_60 = arith.constant 0 : i32
    %dma_wait3A_61 = arith.constant 0 : i32
    %dma_wait3A_62 = tpu.memref_slice %arg3[%dma_wait3A_60, %dma_wait3A_61] : memref<100000x64xf32, #tpu.memory_space<hbm>> -> memref<100000x64xf32, #tpu.memory_space<hbm>>
    tpu.wait_indirect_dma semaphore(%arg8 : memref<!tpu.dma_semaphore, #tpu.memory_space<semaphore_mem>>) src(%dma_wait3A_62 : memref<100000x64xf32, #tpu.memory_space<hbm>>) dst(%dma_wait3A_56 : memref<128x64xf32, #tpu.memory_space<vmem>>)
    %dma_start3A_63 = arith.constant 50 : i32
    %dma_start3A_64 = arith.constant 0 : i32
    %dma_start3A_65 = arith.constant 0 : i32
    %dma_start3A_66 = tpu.memref_slice %arg6[%dma_start3A_64, %dma_start3A_65] : memref<640x64xf32, #tpu.memory_space<vmem>> -> memref<128x64xf32, #tpu.memory_space<vmem>>
    %dma_start3A_67 = arith.constant 0 : i32
    %dma_start3A_68 = tpu.memref_slice %arg5[%dma_start3A_63, %dma_start3A_67] : memref<100x128xi32, #tpu.memory_space<vmem>> -> memref<1x128xi32, #tpu.memory_space<vmem>>
    %dma_start3A_69 = tpu.memref_squeeze %dma_start3A_68 : memref<1x128xi32, #tpu.memory_space<vmem>> -> memref<128xi32, #tpu.memory_space<vmem>>
    %dma_start3A_70 = arith.constant 0 : i32
    %dma_start3A_71 = arith.constant 0 : i32
    %dma_start3A_72 = tpu.memref_slice %arg4[%dma_start3A_70, %dma_start3A_71] : memref<458752x64xf32, #tpu.memory_space<hbm>> -> memref<458752x64xf32, #tpu.memory_space<hbm>>
    tpu.enqueue_indirect_dma source(%dma_start3A_66 : memref<128x64xf32, #tpu.memory_space<vmem>>) target(%dma_start3A_72 : memref<458752x64xf32, #tpu.memory_space<hbm>>) offsets(%dma_start3A_69 : memref<128xi32, #tpu.memory_space<vmem>>) semaphore(%arg9 : memref<!tpu.dma_semaphore, #tpu.memory_space<semaphore_mem>>)
    %dma_wait3A_73 = arith.constant 1 : i32
    %dma_wait3A_74 = arith.constant 128 : i32
    %dma_wait3A_75 = arith.constant 0 : i32
    %dma_wait3A_76 = tpu.memref_slice %arg6[%dma_wait3A_74, %dma_wait3A_75] : memref<640x64xf32, #tpu.memory_space<vmem>> -> memref<128x64xf32, #tpu.memory_space<vmem>>
    %dma_wait3A_77 = arith.constant 0 : i32
    %dma_wait3A_78 = tpu.memref_slice %arg5[%dma_wait3A_73, %dma_wait3A_77] : memref<100x128xi32, #tpu.memory_space<vmem>> -> memref<1x128xi32, #tpu.memory_space<vmem>>
    %dma_wait3A_79 = tpu.memref_squeeze %dma_wait3A_78 : memref<1x128xi32, #tpu.memory_space<vmem>> -> memref<128xi32, #tpu.memory_space<vmem>>
    %dma_wait3A_80 = arith.constant 0 : i32
    %dma_wait3A_81 = arith.constant 0 : i32
    %dma_wait3A_82 = tpu.memref_slice %arg3[%dma_wait3A_80, %dma_wait3A_81] : memref<100000x64xf32, #tpu.memory_space<hbm>> -> memref<100000x64xf32, #tpu.memory_space<hbm>>
    tpu.wait_indirect_dma semaphore(%arg8 : memref<!tpu.dma_semaphore, #tpu.memory_space<semaphore_mem>>) src(%dma_wait3A_82 : memref<100000x64xf32, #tpu.memory_space<hbm>>) dst(%dma_wait3A_76 : memref<128x64xf32, #tpu.memory_space<vmem>>)
    %dma_start3A_83 = arith.constant 51 : i32
    %dma_start3A_84 = arith.constant 128 : i32
    %dma_start3A_85 = arith.constant 0 : i32
    %dma_start3A_86 = tpu.memref_slice %arg6[%dma_start3A_84, %dma_start3A_85] : memref<640x64xf32, #tpu.memory_space<vmem>> -> memref<128x64xf32, #tpu.memory_space<vmem>>
    %dma_start3A_87 = arith.constant 0 : i32
    %dma_start3A_88 = tpu.memref_slice %arg5[%dma_start3A_83, %dma_start3A_87] : memref<100x128xi32, #tpu.memory_space<vmem>> -> memref<1x128xi32, #tpu.memory_space<vmem>>
    %dma_start3A_89 = tpu.memref_squeeze %dma_start3A_88 : memref<1x128xi32, #tpu.memory_space<vmem>> -> memref<128xi32, #tpu.memory_space<vmem>>
    %dma_start3A_90 = arith.constant 0 : i32
    %dma_start3A_91 = arith.constant 0 : i32
    %dma_start3A_92 = tpu.memref_slice %arg4[%dma_start3A_90, %dma_start3A_91] : memref<458752x64xf32, #tpu.memory_space<hbm>> -> memref<458752x64xf32, #tpu.memory_space<hbm>>
    tpu.enqueue_indirect_dma source(%dma_start3A_86 : memref<128x64xf32, #tpu.memory_space<vmem>>) target(%dma_start3A_92 : memref<458752x64xf32, #tpu.memory_space<hbm>>) offsets(%dma_start3A_89 : memref<128xi32, #tpu.memory_space<vmem>>) semaphore(%arg9 : memref<!tpu.dma_semaphore, #tpu.memory_space<semaphore_mem>>)
    %dma_wait3A_93 = arith.constant 2 : i32
    %dma_wait3A_94 = arith.constant 256 : i32
    %dma_wait3A_95 = arith.constant 0 : i32
    %dma_wait3A_96 = tpu.memref_slice %arg6[%dma_wait3A_94, %dma_wait3A_95] : memref<640x64xf32, #tpu.memory_space<vmem>> -> memref<128x64xf32, #tpu.memory_space<vmem>>
    %dma_wait3A_97 = arith.constant 0 : i32
    %dma_wait3A_98 = tpu.memref_slice %arg5[%dma_wait3A_93, %dma_wait3A_97] : memref<100x128xi32, #tpu.memory_space<vmem>> -> memref<1x128xi32, #tpu.memory_space<vmem>>
    %dma_wait3A_99 = tpu.memref_squeeze %dma_wait3A_98 : memref<1x128xi32, #tpu.memory_space<vmem>> -> memref<128xi32, #tpu.memory_space<vmem>>
    %dma_wait3A_100 = arith.constant 0 : i32
    %dma_wait3A_101 = arith.constant 0 : i32
    %dma_wait3A_102 = tpu.memref_slice %arg3[%dma_wait3A_100, %dma_wait3A_101] : memref<100000x64xf32, #tpu.memory_space<hbm>> -> memref<100000x64xf32, #tpu.memory_space<hbm>>
    tpu.wait_indirect_dma semaphore(%arg8 : memref<!tpu.dma_semaphore, #tpu.memory_space<semaphore_mem>>) src(%dma_wait3A_102 : memref<100000x64xf32, #tpu.memory_space<hbm>>) dst(%dma_wait3A_96 : memref<128x64xf32, #tpu.memory_space<vmem>>)
    %dma_start3A_103 = arith.constant 52 : i32
    %dma_start3A_104 = arith.constant 256 : i32
    %dma_start3A_105 = arith.constant 0 : i32
    %dma_start3A_106 = tpu.memref_slice %arg6[%dma_start3A_104, %dma_start3A_105] : memref<640x64xf32, #tpu.memory_space<vmem>> -> memref<128x64xf32, #tpu.memory_space<vmem>>
    %dma_start3A_107 = arith.constant 0 : i32
    %dma_start3A_108 = tpu.memref_slice %arg5[%dma_start3A_103, %dma_start3A_107] : memref<100x128xi32, #tpu.memory_space<vmem>> -> memref<1x128xi32, #tpu.memory_space<vmem>>
    %dma_start3A_109 = tpu.memref_squeeze %dma_start3A_108 : memref<1x128xi32, #tpu.memory_space<vmem>> -> memref<128xi32, #tpu.memory_space<vmem>>
    %dma_start3A_110 = arith.constant 0 : i32
    %dma_start3A_111 = arith.constant 0 : i32
    %dma_start3A_112 = tpu.memref_slice %arg4[%dma_start3A_110, %dma_start3A_111] : memref<458752x64xf32, #tpu.memory_space<hbm>> -> memref<458752x64xf32, #tpu.memory_space<hbm>>
    tpu.enqueue_indirect_dma source(%dma_start3A_106 : memref<128x64xf32, #tpu.memory_space<vmem>>) target(%dma_start3A_112 : memref<458752x64xf32, #tpu.memory_space<hbm>>) offsets(%dma_start3A_109 : memref<128xi32, #tpu.memory_space<vmem>>) semaphore(%arg9 : memref<!tpu.dma_semaphore, #tpu.memory_space<semaphore_mem>>)
    %dma_wait3A_113 = arith.constant 3 : i32
    %dma_wait3A_114 = arith.constant 384 : i32
    %dma_wait3A_115 = arith.constant 0 : i32
    %dma_wait3A_116 = tpu.memref_slice %arg6[%dma_wait3A_114, %dma_wait3A_115] : memref<640x64xf32, #tpu.memory_space<vmem>> -> memref<128x64xf32, #tpu.memory_space<vmem>>
    %dma_wait3A_117 = arith.constant 0 : i32
    %dma_wait3A_118 = tpu.memref_slice %arg5[%dma_wait3A_113, %dma_wait3A_117] : memref<100x128xi32, #tpu.memory_space<vmem>> -> memref<1x128xi32, #tpu.memory_space<vmem>>
    %dma_wait3A_119 = tpu.memref_squeeze %dma_wait3A_118 : memref<1x128xi32, #tpu.memory_space<vmem>> -> memref<128xi32, #tpu.memory_space<vmem>>
    %dma_wait3A_120 = arith.constant 0 : i32
    %dma_wait3A_121 = arith.constant 0 : i32
    %dma_wait3A_122 = tpu.memref_slice %arg3[%dma_wait3A_120, %dma_wait3A_121] : memref<100000x64xf32, #tpu.memory_space<hbm>> -> memref<100000x64xf32, #tpu.memory_space<hbm>>
    tpu.wait_indirect_dma semaphore(%arg8 : memref<!tpu.dma_semaphore, #tpu.memory_space<semaphore_mem>>) src(%dma_wait3A_122 : memref<100000x64xf32, #tpu.memory_space<hbm>>) dst(%dma_wait3A_116 : memref<128x64xf32, #tpu.memory_space<vmem>>)
    %dma_start3A_123 = arith.constant 53 : i32
    %dma_start3A_124 = arith.constant 384 : i32
    %dma_start3A_125 = arith.constant 0 : i32
    %dma_start3A_126 = tpu.memref_slice %arg6[%dma_start3A_124, %dma_start3A_125] : memref<640x64xf32, #tpu.memory_space<vmem>> -> memref<128x64xf32, #tpu.memory_space<vmem>>
    %dma_start3A_127 = arith.constant 0 : i32
    %dma_start3A_128 = tpu.memref_slice %arg5[%dma_start3A_123, %dma_start3A_127] : memref<100x128xi32, #tpu.memory_space<vmem>> -> memref<1x128xi32, #tpu.memory_space<vmem>>
    %dma_start3A_129 = tpu.memref_squeeze %dma_start3A_128 : memref<1x128xi32, #tpu.memory_space<vmem>> -> memref<128xi32, #tpu.memory_space<vmem>>
    %dma_start3A_130 = arith.constant 0 : i32
    %dma_start3A_131 = arith.constant 0 : i32
    %dma_start3A_132 = tpu.memref_slice %arg4[%dma_start3A_130, %dma_start3A_131] : memref<458752x64xf32, #tpu.memory_space<hbm>> -> memref<458752x64xf32, #tpu.memory_space<hbm>>
    tpu.enqueue_indirect_dma source(%dma_start3A_126 : memref<128x64xf32, #tpu.memory_space<vmem>>) target(%dma_start3A_132 : memref<458752x64xf32, #tpu.memory_space<hbm>>) offsets(%dma_start3A_129 : memref<128xi32, #tpu.memory_space<vmem>>) semaphore(%arg9 : memref<!tpu.dma_semaphore, #tpu.memory_space<semaphore_mem>>)
    %dma_wait3A_133 = arith.constant 4 : i32
    %dma_wait3A_134 = arith.constant 512 : i32
    %dma_wait3A_135 = arith.constant 0 : i32
    %dma_wait3A_136 = tpu.memref_slice %arg6[%dma_wait3A_134, %dma_wait3A_135] : memref<640x64xf32, #tpu.memory_space<vmem>> -> memref<128x64xf32, #tpu.memory_space<vmem>>
    %dma_wait3A_137 = arith.constant 0 : i32
    %dma_wait3A_138 = tpu.memref_slice %arg5[%dma_wait3A_133, %dma_wait3A_137] : memref<100x128xi32, #tpu.memory_space<vmem>> -> memref<1x128xi32, #tpu.memory_space<vmem>>
    %dma_wait3A_139 = tpu.memref_squeeze %dma_wait3A_138 : memref<1x128xi32, #tpu.memory_space<vmem>> -> memref<128xi32, #tpu.memory_space<vmem>>
    %dma_wait3A_140 = arith.constant 0 : i32
    %dma_wait3A_141 = arith.constant 0 : i32
    %dma_wait3A_142 = tpu.memref_slice %arg3[%dma_wait3A_140, %dma_wait3A_141] : memref<100000x64xf32, #tpu.memory_space<hbm>> -> memref<100000x64xf32, #tpu.memory_space<hbm>>
    tpu.wait_indirect_dma semaphore(%arg8 : memref<!tpu.dma_semaphore, #tpu.memory_space<semaphore_mem>>) src(%dma_wait3A_142 : memref<100000x64xf32, #tpu.memory_space<hbm>>) dst(%dma_wait3A_136 : memref<128x64xf32, #tpu.memory_space<vmem>>)
    %dma_start3A_143 = arith.constant 54 : i32
    %dma_start3A_144 = arith.constant 512 : i32
    %dma_start3A_145 = arith.constant 0 : i32
    %dma_start3A_146 = tpu.memref_slice %arg6[%dma_start3A_144, %dma_start3A_145] : memref<640x64xf32, #tpu.memory_space<vmem>> -> memref<128x64xf32, #tpu.memory_space<vmem>>
    %dma_start3A_147 = arith.constant 0 : i32
    %dma_start3A_148 = tpu.memref_slice %arg5[%dma_start3A_143, %dma_start3A_147] : memref<100x128xi32, #tpu.memory_space<vmem>> -> memref<1x128xi32, #tpu.memory_space<vmem>>
    %dma_start3A_149 = tpu.memref_squeeze %dma_start3A_148 : memref<1x128xi32, #tpu.memory_space<vmem>> -> memref<128xi32, #tpu.memory_space<vmem>>
    %dma_start3A_150 = arith.constant 0 : i32
    %dma_start3A_151 = arith.constant 0 : i32
    %dma_start3A_152 = tpu.memref_slice %arg4[%dma_start3A_150, %dma_start3A_151] : memref<458752x64xf32, #tpu.memory_space<hbm>> -> memref<458752x64xf32, #tpu.memory_space<hbm>>
    tpu.enqueue_indirect_dma source(%dma_start3A_146 : memref<128x64xf32, #tpu.memory_space<vmem>>) target(%dma_start3A_152 : memref<458752x64xf32, #tpu.memory_space<hbm>>) offsets(%dma_start3A_149 : memref<128xi32, #tpu.memory_space<vmem>>) semaphore(%arg9 : memref<!tpu.dma_semaphore, #tpu.memory_space<semaphore_mem>>)
    %dma_start3A_153 = arith.constant 5 : i32
    %dma_start3A_154 = arith.constant 0 : i32
    %dma_start3A_155 = arith.constant 0 : i32
    %dma_start3A_156 = tpu.memref_slice %arg7[%dma_start3A_154, %dma_start3A_155] : memref<640x64xf32, #tpu.memory_space<vmem>> -> memref<128x64xf32, #tpu.memory_space<vmem>>
    %dma_start3A_157 = arith.constant 0 : i32
    %dma_start3A_158 = tpu.memref_slice %arg5[%dma_start3A_153, %dma_start3A_157] : memref<100x128xi32, #tpu.memory_space<vmem>> -> memref<1x128xi32, #tpu.memory_space<vmem>>
    %dma_start3A_159 = tpu.memref_squeeze %dma_start3A_158 : memref<1x128xi32, #tpu.memory_space<vmem>> -> memref<128xi32, #tpu.memory_space<vmem>>
    %dma_start3A_160 = arith.constant 0 : i32
    %dma_start3A_161 = arith.constant 0 : i32
    %dma_start3A_162 = tpu.memref_slice %arg3[%dma_start3A_160, %dma_start3A_161] : memref<100000x64xf32, #tpu.memory_space<hbm>> -> memref<100000x64xf32, #tpu.memory_space<hbm>>
    tpu.enqueue_indirect_dma source(%dma_start3A_162 : memref<100000x64xf32, #tpu.memory_space<hbm>>) target(%dma_start3A_156 : memref<128x64xf32, #tpu.memory_space<vmem>>) offsets(%dma_start3A_159 : memref<128xi32, #tpu.memory_space<vmem>>) semaphore(%arg8 : memref<!tpu.dma_semaphore, #tpu.memory_space<semaphore_mem>>)
    %dma_start3A_163 = arith.constant 6 : i32
    %dma_start3A_164 = arith.constant 128 : i32
    %dma_start3A_165 = arith.constant 0 : i32
    %dma_start3A_166 = tpu.memref_slice %arg7[%dma_start3A_164, %dma_start3A_165] : memref<640x64xf32, #tpu.memory_space<vmem>> -> memref<128x64xf32, #tpu.memory_space<vmem>>
    %dma_start3A_167 = arith.constant 0 : i32
    %dma_start3A_168 = tpu.memref_slice %arg5[%dma_start3A_163, %dma_start3A_167] : memref<100x128xi32, #tpu.memory_space<vmem>> -> memref<1x128xi32, #tpu.memory_space<vmem>>
    %dma_start3A_169 = tpu.memref_squeeze %dma_start3A_168 : memref<1x128xi32, #tpu.memory_space<vmem>> -> memref<128xi32, #tpu.memory_space<vmem>>
    %dma_start3A_170 = arith.constant 0 : i32
    %dma_start3A_171 = arith.constant 0 : i32
    %dma_start3A_172 = tpu.memref_slice %arg3[%dma_start3A_170, %dma_start3A_171] : memref<100000x64xf32, #tpu.memory_space<hbm>> -> memref<100000x64xf32, #tpu.memory_space<hbm>>
    tpu.enqueue_indirect_dma source(%dma_start3A_172 : memref<100000x64xf32, #tpu.memory_space<hbm>>) target(%dma_start3A_166 : memref<128x64xf32, #tpu.memory_space<vmem>>) offsets(%dma_start3A_169 : memref<128xi32, #tpu.memory_space<vmem>>) semaphore(%arg8 : memref<!tpu.dma_semaphore, #tpu.memory_space<semaphore_mem>>)
    %dma_start3A_173 = arith.constant 7 : i32
    %dma_start3A_174 = arith.constant 256 : i32
    %dma_start3A_175 = arith.constant 0 : i32
    %dma_start3A_176 = tpu.memref_slice %arg7[%dma_start3A_174, %dma_start3A_175] : memref<640x64xf32, #tpu.memory_space<vmem>> -> memref<128x64xf32, #tpu.memory_space<vmem>>
    %dma_start3A_177 = arith.constant 0 : i32
    %dma_start3A_178 = tpu.memref_slice %arg5[%dma_start3A_173, %dma_start3A_177] : memref<100x128xi32, #tpu.memory_space<vmem>> -> memref<1x128xi32, #tpu.memory_space<vmem>>
    %dma_start3A_179 = tpu.memref_squeeze %dma_start3A_178 : memref<1x128xi32, #tpu.memory_space<vmem>> -> memref<128xi32, #tpu.memory_space<vmem>>
    %dma_start3A_180 = arith.constant 0 : i32
    %dma_start3A_181 = arith.constant 0 : i32
    %dma_start3A_182 = tpu.memref_slice %arg3[%dma_start3A_180, %dma_start3A_181] : memref<100000x64xf32, #tpu.memory_space<hbm>> -> memref<100000x64xf32, #tpu.memory_space<hbm>>
    tpu.enqueue_indirect_dma source(%dma_start3A_182 : memref<100000x64xf32, #tpu.memory_space<hbm>>) target(%dma_start3A_176 : memref<128x64xf32, #tpu.memory_space<vmem>>) offsets(%dma_start3A_179 : memref<128xi32, #tpu.memory_space<vmem>>) semaphore(%arg8 : memref<!tpu.dma_semaphore, #tpu.memory_space<semaphore_mem>>)
    %dma_start3A_183 = arith.constant 8 : i32
    %dma_start3A_184 = arith.constant 384 : i32
    %dma_start3A_185 = arith.constant 0 : i32
    %dma_start3A_186 = tpu.memref_slice %arg7[%dma_start3A_184, %dma_start3A_185] : memref<640x64xf32, #tpu.memory_space<vmem>> -> memref<128x64xf32, #tpu.memory_space<vmem>>
    %dma_start3A_187 = arith.constant 0 : i32
    %dma_start3A_188 = tpu.memref_slice %arg5[%dma_start3A_183, %dma_start3A_187] : memref<100x128xi32, #tpu.memory_space<vmem>> -> memref<1x128xi32, #tpu.memory_space<vmem>>
    %dma_start3A_189 = tpu.memref_squeeze %dma_start3A_188 : memref<1x128xi32, #tpu.memory_space<vmem>> -> memref<128xi32, #tpu.memory_space<vmem>>
    %dma_start3A_190 = arith.constant 0 : i32
    %dma_start3A_191 = arith.constant 0 : i32
    %dma_start3A_192 = tpu.memref_slice %arg3[%dma_start3A_190, %dma_start3A_191] : memref<100000x64xf32, #tpu.memory_space<hbm>> -> memref<100000x64xf32, #tpu.memory_space<hbm>>
    tpu.enqueue_indirect_dma source(%dma_start3A_192 : memref<100000x64xf32, #tpu.memory_space<hbm>>) target(%dma_start3A_186 : memref<128x64xf32, #tpu.memory_space<vmem>>) offsets(%dma_start3A_189 : memref<128xi32, #tpu.memory_space<vmem>>) semaphore(%arg8 : memref<!tpu.dma_semaphore, #tpu.memory_space<semaphore_mem>>)
    %dma_start3A_193 = arith.constant 9 : i32
    %dma_start3A_194 = arith.constant 512 : i32
    %dma_start3A_195 = arith.constant 0 : i32
    %dma_start3A_196 = tpu.memref_slice %arg7[%dma_start3A_194, %dma_start3A_195] : memref<640x64xf32, #tpu.memory_space<vmem>> -> memref<128x64xf32, #tpu.memory_space<vmem>>
    %dma_start3A_197 = arith.constant 0 : i32
    %dma_start3A_198 = tpu.memref_slice %arg5[%dma_start3A_193, %dma_start3A_197] : memref<100x128xi32, #tpu.memory_space<vmem>> -> memref<1x128xi32, #tpu.memory_space<vmem>>
    %dma_start3A_199 = tpu.memref_squeeze %dma_start3A_198 : memref<1x128xi32, #tpu.memory_space<vmem>> -> memref<128xi32, #tpu.memory_space<vmem>>
    %dma_start3A_200 = arith.constant 0 : i32
    %dma_start3A_201 = arith.constant 0 : i32
    %dma_start3A_202 = tpu.memref_slice %arg3[%dma_start3A_200, %dma_start3A_201] : memref<100000x64xf32, #tpu.memory_space<hbm>> -> memref<100000x64xf32, #tpu.memory_space<hbm>>
    tpu.enqueue_indirect_dma source(%dma_start3A_202 : memref<100000x64xf32, #tpu.memory_space<hbm>>) target(%dma_start3A_196 : memref<128x64xf32, #tpu.memory_space<vmem>>) offsets(%dma_start3A_199 : memref<128xi32, #tpu.memory_space<vmem>>) semaphore(%arg8 : memref<!tpu.dma_semaphore, #tpu.memory_space<semaphore_mem>>)
    %dma_wait3A_203 = arith.constant 5 : i32
    %dma_wait3A_204 = arith.constant 0 : i32
    %dma_wait3A_205 = arith.constant 0 : i32
    %dma_wait3A_206 = tpu.memref_slice %arg7[%dma_wait3A_204, %dma_wait3A_205] : memref<640x64xf32, #tpu.memory_space<vmem>> -> memref<128x64xf32, #tpu.memory_space<vmem>>
    %dma_wait3A_207 = arith.constant 0 : i32
    %dma_wait3A_208 = tpu.memref_slice %arg5[%dma_wait3A_203, %dma_wait3A_207] : memref<100x128xi32, #tpu.memory_space<vmem>> -> memref<1x128xi32, #tpu.memory_space<vmem>>
    %dma_wait3A_209 = tpu.memref_squeeze %dma_wait3A_208 : memref<1x128xi32, #tpu.memory_space<vmem>> -> memref<128xi32, #tpu.memory_space<vmem>>
    %dma_wait3A_210 = arith.constant 0 : i32
    %dma_wait3A_211 = arith.constant 0 : i32
    %dma_wait3A_212 = tpu.memref_slice %arg3[%dma_wait3A_210, %dma_wait3A_211] : memref<100000x64xf32, #tpu.memory_space<hbm>> -> memref<100000x64xf32, #tpu.memory_space<hbm>>
    tpu.wait_indirect_dma semaphore(%arg8 : memref<!tpu.dma_semaphore, #tpu.memory_space<semaphore_mem>>) src(%dma_wait3A_212 : memref<100000x64xf32, #tpu.memory_space<hbm>>) dst(%dma_wait3A_206 : memref<128x64xf32, #tpu.memory_space<vmem>>)
    %dma_start3A_213 = arith.constant 55 : i32
    %dma_start3A_214 = arith.constant 0 : i32
    %dma_start3A_215 = arith.constant 0 : i32
    %dma_start3A_216 = tpu.memref_slice %arg7[%dma_start3A_214, %dma_start3A_215] : memref<640x64xf32, #tpu.memory_space<vmem>> -> memref<128x64xf32, #tpu.memory_space<vmem>>
    %dma_start3A_217 = arith.constant 0 : i32
    %dma_start3A_218 = tpu.memref_slice %arg5[%dma_start3A_213, %dma_start3A_217] : memref<100x128xi32, #tpu.memory_space<vmem>> -> memref<1x128xi32, #tpu.memory_space<vmem>>
    %dma_start3A_219 = tpu.memref_squeeze %dma_start3A_218 : memref<1x128xi32, #tpu.memory_space<vmem>> -> memref<128xi32, #tpu.memory_space<vmem>>
    %dma_start3A_220 = arith.constant 0 : i32
    %dma_start3A_221 = arith.constant 0 : i32
    %dma_start3A_222 = tpu.memref_slice %arg4[%dma_start3A_220, %dma_start3A_221] : memref<458752x64xf32, #tpu.memory_space<hbm>> -> memref<458752x64xf32, #tpu.memory_space<hbm>>
    tpu.enqueue_indirect_dma source(%dma_start3A_216 : memref<128x64xf32, #tpu.memory_space<vmem>>) target(%dma_start3A_222 : memref<458752x64xf32, #tpu.memory_space<hbm>>) offsets(%dma_start3A_219 : memref<128xi32, #tpu.memory_space<vmem>>) semaphore(%arg10 : memref<!tpu.dma_semaphore, #tpu.memory_space<semaphore_mem>>)
    %dma_wait3A_223 = arith.constant 6 : i32
    %dma_wait3A_224 = arith.constant 128 : i32
    %dma_wait3A_225 = arith.constant 0 : i32
    %dma_wait3A_226 = tpu.memref_slice %arg7[%dma_wait3A_224, %dma_wait3A_225] : memref<640x64xf32, #tpu.memory_space<vmem>> -> memref<128x64xf32, #tpu.memory_space<vmem>>
    %dma_wait3A_227 = arith.constant 0 : i32
    %dma_wait3A_228 = tpu.memref_slice %arg5[%dma_wait3A_223, %dma_wait3A_227] : memref<100x128xi32, #tpu.memory_space<vmem>> -> memref<1x128xi32, #tpu.memory_space<vmem>>
    %dma_wait3A_229 = tpu.memref_squeeze %dma_wait3A_228 : memref<1x128xi32, #tpu.memory_space<vmem>> -> memref<128xi32, #tpu.memory_space<vmem>>
    %dma_wait3A_230 = arith.constant 0 : i32
    %dma_wait3A_231 = arith.constant 0 : i32
    %dma_wait3A_232 = tpu.memref_slice %arg3[%dma_wait3A_230, %dma_wait3A_231] : memref<100000x64xf32, #tpu.memory_space<hbm>> -> memref<100000x64xf32, #tpu.memory_space<hbm>>
    tpu.wait_indirect_dma semaphore(%arg8 : memref<!tpu.dma_semaphore, #tpu.memory_space<semaphore_mem>>) src(%dma_wait3A_232 : memref<100000x64xf32, #tpu.memory_space<hbm>>) dst(%dma_wait3A_226 : memref<128x64xf32, #tpu.memory_space<vmem>>)
    %dma_start3A_233 = arith.constant 56 : i32
    %dma_start3A_234 = arith.constant 128 : i32
    %dma_start3A_235 = arith.constant 0 : i32
    %dma_start3A_236 = tpu.memref_slice %arg7[%dma_start3A_234, %dma_start3A_235] : memref<640x64xf32, #tpu.memory_space<vmem>> -> memref<128x64xf32, #tpu.memory_space<vmem>>
    %dma_start3A_237 = arith.constant 0 : i32
    %dma_start3A_238 = tpu.memref_slice %arg5[%dma_start3A_233, %dma_start3A_237] : memref<100x128xi32, #tpu.memory_space<vmem>> -> memref<1x128xi32, #tpu.memory_space<vmem>>
    %dma_start3A_239 = tpu.memref_squeeze %dma_start3A_238 : memref<1x128xi32, #tpu.memory_space<vmem>> -> memref<128xi32, #tpu.memory_space<vmem>>
    %dma_start3A_240 = arith.constant 0 : i32
    %dma_start3A_241 = arith.constant 0 : i32
    %dma_start3A_242 = tpu.memref_slice %arg4[%dma_start3A_240, %dma_start3A_241] : memref<458752x64xf32, #tpu.memory_space<hbm>> -> memref<458752x64xf32, #tpu.memory_space<hbm>>
    tpu.enqueue_indirect_dma source(%dma_start3A_236 : memref<128x64xf32, #tpu.memory_space<vmem>>) target(%dma_start3A_242 : memref<458752x64xf32, #tpu.memory_space<hbm>>) offsets(%dma_start3A_239 : memref<128xi32, #tpu.memory_space<vmem>>) semaphore(%arg10 : memref<!tpu.dma_semaphore, #tpu.memory_space<semaphore_mem>>)
    %dma_wait3A_243 = arith.constant 7 : i32
    %dma_wait3A_244 = arith.constant 256 : i32
    %dma_wait3A_245 = arith.constant 0 : i32
    %dma_wait3A_246 = tpu.memref_slice %arg7[%dma_wait3A_244, %dma_wait3A_245] : memref<640x64xf32, #tpu.memory_space<vmem>> -> memref<128x64xf32, #tpu.memory_space<vmem>>
    %dma_wait3A_247 = arith.constant 0 : i32
    %dma_wait3A_248 = tpu.memref_slice %arg5[%dma_wait3A_243, %dma_wait3A_247] : memref<100x128xi32, #tpu.memory_space<vmem>> -> memref<1x128xi32, #tpu.memory_space<vmem>>
    %dma_wait3A_249 = tpu.memref_squeeze %dma_wait3A_248 : memref<1x128xi32, #tpu.memory_space<vmem>> -> memref<128xi32, #tpu.memory_space<vmem>>
    %dma_wait3A_250 = arith.constant 0 : i32
    %dma_wait3A_251 = arith.constant 0 : i32
    %dma_wait3A_252 = tpu.memref_slice %arg3[%dma_wait3A_250, %dma_wait3A_251] : memref<100000x64xf32, #tpu.memory_space<hbm>> -> memref<100000x64xf32, #tpu.memory_space<hbm>>
    tpu.wait_indirect_dma semaphore(%arg8 : memref<!tpu.dma_semaphore, #tpu.memory_space<semaphore_mem>>) src(%dma_wait3A_252 : memref<100000x64xf32, #tpu.memory_space<hbm>>) dst(%dma_wait3A_246 : memref<128x64xf32, #tpu.memory_space<vmem>>)
    %dma_start3A_253 = arith.constant 57 : i32
    %dma_start3A_254 = arith.constant 256 : i32
    %dma_start3A_255 = arith.constant 0 : i32
    %dma_start3A_256 = tpu.memref_slice %arg7[%dma_start3A_254, %dma_start3A_255] : memref<640x64xf32, #tpu.memory_space<vmem>> -> memref<128x64xf32, #tpu.memory_space<vmem>>
    %dma_start3A_257 = arith.constant 0 : i32
    %dma_start3A_258 = tpu.memref_slice %arg5[%dma_start3A_253, %dma_start3A_257] : memref<100x128xi32, #tpu.memory_space<vmem>> -> memref<1x128xi32, #tpu.memory_space<vmem>>
    %dma_start3A_259 = tpu.memref_squeeze %dma_start3A_258 : memref<1x128xi32, #tpu.memory_space<vmem>> -> memref<128xi32, #tpu.memory_space<vmem>>
    %dma_start3A_260 = arith.constant 0 : i32
    %dma_start3A_261 = arith.constant 0 : i32
    %dma_start3A_262 = tpu.memref_slice %arg4[%dma_start3A_260, %dma_start3A_261] : memref<458752x64xf32, #tpu.memory_space<hbm>> -> memref<458752x64xf32, #tpu.memory_space<hbm>>
    tpu.enqueue_indirect_dma source(%dma_start3A_256 : memref<128x64xf32, #tpu.memory_space<vmem>>) target(%dma_start3A_262 : memref<458752x64xf32, #tpu.memory_space<hbm>>) offsets(%dma_start3A_259 : memref<128xi32, #tpu.memory_space<vmem>>) semaphore(%arg10 : memref<!tpu.dma_semaphore, #tpu.memory_space<semaphore_mem>>)
    %dma_wait3A_263 = arith.constant 8 : i32
    %dma_wait3A_264 = arith.constant 384 : i32
    %dma_wait3A_265 = arith.constant 0 : i32
    %dma_wait3A_266 = tpu.memref_slice %arg7[%dma_wait3A_264, %dma_wait3A_265] : memref<640x64xf32, #tpu.memory_space<vmem>> -> memref<128x64xf32, #tpu.memory_space<vmem>>
    %dma_wait3A_267 = arith.constant 0 : i32
    %dma_wait3A_268 = tpu.memref_slice %arg5[%dma_wait3A_263, %dma_wait3A_267] : memref<100x128xi32, #tpu.memory_space<vmem>> -> memref<1x128xi32, #tpu.memory_space<vmem>>
    %dma_wait3A_269 = tpu.memref_squeeze %dma_wait3A_268 : memref<1x128xi32, #tpu.memory_space<vmem>> -> memref<128xi32, #tpu.memory_space<vmem>>
    %dma_wait3A_270 = arith.constant 0 : i32
    %dma_wait3A_271 = arith.constant 0 : i32
    %dma_wait3A_272 = tpu.memref_slice %arg3[%dma_wait3A_270, %dma_wait3A_271] : memref<100000x64xf32, #tpu.memory_space<hbm>> -> memref<100000x64xf32, #tpu.memory_space<hbm>>
    tpu.wait_indirect_dma semaphore(%arg8 : memref<!tpu.dma_semaphore, #tpu.memory_space<semaphore_mem>>) src(%dma_wait3A_272 : memref<100000x64xf32, #tpu.memory_space<hbm>>) dst(%dma_wait3A_266 : memref<128x64xf32, #tpu.memory_space<vmem>>)
    %dma_start3A_273 = arith.constant 58 : i32
    %dma_start3A_274 = arith.constant 384 : i32
    %dma_start3A_275 = arith.constant 0 : i32
    %dma_start3A_276 = tpu.memref_slice %arg7[%dma_start3A_274, %dma_start3A_275] : memref<640x64xf32, #tpu.memory_space<vmem>> -> memref<128x64xf32, #tpu.memory_space<vmem>>
    %dma_start3A_277 = arith.constant 0 : i32
    %dma_start3A_278 = tpu.memref_slice %arg5[%dma_start3A_273, %dma_start3A_277] : memref<100x128xi32, #tpu.memory_space<vmem>> -> memref<1x128xi32, #tpu.memory_space<vmem>>
    %dma_start3A_279 = tpu.memref_squeeze %dma_start3A_278 : memref<1x128xi32, #tpu.memory_space<vmem>> -> memref<128xi32, #tpu.memory_space<vmem>>
    %dma_start3A_280 = arith.constant 0 : i32
    %dma_start3A_281 = arith.constant 0 : i32
    %dma_start3A_282 = tpu.memref_slice %arg4[%dma_start3A_280, %dma_start3A_281] : memref<458752x64xf32, #tpu.memory_space<hbm>> -> memref<458752x64xf32, #tpu.memory_space<hbm>>
    tpu.enqueue_indirect_dma source(%dma_start3A_276 : memref<128x64xf32, #tpu.memory_space<vmem>>) target(%dma_start3A_282 : memref<458752x64xf32, #tpu.memory_space<hbm>>) offsets(%dma_start3A_279 : memref<128xi32, #tpu.memory_space<vmem>>) semaphore(%arg10 : memref<!tpu.dma_semaphore, #tpu.memory_space<semaphore_mem>>)
    %dma_wait3A_283 = arith.constant 9 : i32
    %dma_wait3A_284 = arith.constant 512 : i32
    %dma_wait3A_285 = arith.constant 0 : i32
    %dma_wait3A_286 = tpu.memref_slice %arg7[%dma_wait3A_284, %dma_wait3A_285] : memref<640x64xf32, #tpu.memory_space<vmem>> -> memref<128x64xf32, #tpu.memory_space<vmem>>
    %dma_wait3A_287 = arith.constant 0 : i32
    %dma_wait3A_288 = tpu.memref_slice %arg5[%dma_wait3A_283, %dma_wait3A_287] : memref<100x128xi32, #tpu.memory_space<vmem>> -> memref<1x128xi32, #tpu.memory_space<vmem>>
    %dma_wait3A_289 = tpu.memref_squeeze %dma_wait3A_288 : memref<1x128xi32, #tpu.memory_space<vmem>> -> memref<128xi32, #tpu.memory_space<vmem>>
    %dma_wait3A_290 = arith.constant 0 : i32
    %dma_wait3A_291 = arith.constant 0 : i32
    %dma_wait3A_292 = tpu.memref_slice %arg3[%dma_wait3A_290, %dma_wait3A_291] : memref<100000x64xf32, #tpu.memory_space<hbm>> -> memref<100000x64xf32, #tpu.memory_space<hbm>>
    tpu.wait_indirect_dma semaphore(%arg8 : memref<!tpu.dma_semaphore, #tpu.memory_space<semaphore_mem>>) src(%dma_wait3A_292 : memref<100000x64xf32, #tpu.memory_space<hbm>>) dst(%dma_wait3A_286 : memref<128x64xf32, #tpu.memory_space<vmem>>)
    %dma_start3A_293 = arith.constant 59 : i32
    %dma_start3A_294 = arith.constant 512 : i32
    %dma_start3A_295 = arith.constant 0 : i32
    %dma_start3A_296 = tpu.memref_slice %arg7[%dma_start3A_294, %dma_start3A_295] : memref<640x64xf32, #tpu.memory_space<vmem>> -> memref<128x64xf32, #tpu.memory_space<vmem>>
    %dma_start3A_297 = arith.constant 0 : i32
    %dma_start3A_298 = tpu.memref_slice %arg5[%dma_start3A_293, %dma_start3A_297] : memref<100x128xi32, #tpu.memory_space<vmem>> -> memref<1x128xi32, #tpu.memory_space<vmem>>
    %dma_start3A_299 = tpu.memref_squeeze %dma_start3A_298 : memref<1x128xi32, #tpu.memory_space<vmem>> -> memref<128xi32, #tpu.memory_space<vmem>>
    %dma_start3A_300 = arith.constant 0 : i32
    %dma_start3A_301 = arith.constant 0 : i32
    %dma_start3A_302 = tpu.memref_slice %arg4[%dma_start3A_300, %dma_start3A_301] : memref<458752x64xf32, #tpu.memory_space<hbm>> -> memref<458752x64xf32, #tpu.memory_space<hbm>>
    tpu.enqueue_indirect_dma source(%dma_start3A_296 : memref<128x64xf32, #tpu.memory_space<vmem>>) target(%dma_start3A_302 : memref<458752x64xf32, #tpu.memory_space<hbm>>) offsets(%dma_start3A_299 : memref<128xi32, #tpu.memory_space<vmem>>) semaphore(%arg10 : memref<!tpu.dma_semaphore, #tpu.memory_space<semaphore_mem>>)
    %scan3A = arith.constant 0 : i32
    %scan3A_303 = arith.constant 1 : i32
    %scan3A_304 = arith.constant 4 : i32
    %scan3A_305 = arith.addi %scan3A_303, %scan3A_304 : i32
    %scan3A_306 = arith.constant 1 : i32
    scf.for %scan3A_320 = %scan3A_303 to %scan3A_305 step %scan3A_306  : i32 {
      %mul3A_321 = arith.constant 2 : i32
      %mul3A_322 = arith.muli %mul3A_321, %scan3A_320 : i32
      %dma_wait3A_323 = arith.constant 0 : i32
      %dma_wait3A_324 = arith.constant 0 : i32
      %dma_wait3A_325 = tpu.memref_slice %arg4[%dma_wait3A_323, %dma_wait3A_324] : memref<458752x64xf32, #tpu.memory_space<hbm>> -> memref<640x64xf32, #tpu.memory_space<hbm>>
      %dma_wait3A_326 = arith.constant 0 : i32
      %dma_wait3A_327 = arith.constant 0 : i32
      %dma_wait3A_328 = tpu.memref_slice %arg4[%dma_wait3A_326, %dma_wait3A_327] : memref<458752x64xf32, #tpu.memory_space<hbm>> -> memref<640x64xf32, #tpu.memory_space<hbm>>
      tpu.wait_dma2 semaphore(%arg9 : memref<!tpu.dma_semaphore, #tpu.memory_space<semaphore_mem>>) src(%arg6 : memref<640x64xf32, #tpu.memory_space<vmem>>) dst(%dma_wait3A_328 : memref<640x64xf32, #tpu.memory_space<hbm>>)
      %mul3A_329 = arith.constant 5 : i32
      %mul3A_330 = arith.muli %mul3A_322, %mul3A_329 : i32
      %add3A_331 = arith.constant 0 : i32
      %add3A_332 = arith.addi %mul3A_330, %add3A_331 : i32
      %dma_start3A_333 = arith.constant 0 : i32
      %dma_start3A_334 = arith.constant 0 : i32
      %dma_start3A_335 = tpu.memref_slice %arg6[%dma_start3A_333, %dma_start3A_334] : memref<640x64xf32, #tpu.memory_space<vmem>> -> memref<128x64xf32, #tpu.memory_space<vmem>>
      %dma_start3A_336 = arith.constant 0 : i32
      %dma_start3A_337 = tpu.memref_slice %arg5[%add3A_332, %dma_start3A_336] : memref<100x128xi32, #tpu.memory_space<vmem>> -> memref<1x128xi32, #tpu.memory_space<vmem>>
      %dma_start3A_338 = tpu.memref_squeeze %dma_start3A_337 : memref<1x128xi32, #tpu.memory_space<vmem>> -> memref<128xi32, #tpu.memory_space<vmem>>
      %dma_start3A_339 = arith.constant 0 : i32
      %dma_start3A_340 = arith.constant 0 : i32
      %dma_start3A_341 = tpu.memref_slice %arg3[%dma_start3A_339, %dma_start3A_340] : memref<100000x64xf32, #tpu.memory_space<hbm>> -> memref<100000x64xf32, #tpu.memory_space<hbm>>
      tpu.enqueue_indirect_dma source(%dma_start3A_341 : memref<100000x64xf32, #tpu.memory_space<hbm>>) target(%dma_start3A_335 : memref<128x64xf32, #tpu.memory_space<vmem>>) offsets(%dma_start3A_338 : memref<128xi32, #tpu.memory_space<vmem>>) semaphore(%arg8 : memref<!tpu.dma_semaphore, #tpu.memory_space<semaphore_mem>>)
      %mul3A_342 = arith.constant 5 : i32
      %mul3A_343 = arith.muli %mul3A_322, %mul3A_342 : i32
      %add3A_344 = arith.constant 1 : i32
      %add3A_345 = arith.addi %mul3A_343, %add3A_344 : i32
      %dma_start3A_346 = arith.constant 128 : i32
      %dma_start3A_347 = arith.constant 0 : i32
      %dma_start3A_348 = tpu.memref_slice %arg6[%dma_start3A_346, %dma_start3A_347] : memref<640x64xf32, #tpu.memory_space<vmem>> -> memref<128x64xf32, #tpu.memory_space<vmem>>
      %dma_start3A_349 = arith.constant 0 : i32
      %dma_start3A_350 = tpu.memref_slice %arg5[%add3A_345, %dma_start3A_349] : memref<100x128xi32, #tpu.memory_space<vmem>> -> memref<1x128xi32, #tpu.memory_space<vmem>>
      %dma_start3A_351 = tpu.memref_squeeze %dma_start3A_350 : memref<1x128xi32, #tpu.memory_space<vmem>> -> memref<128xi32, #tpu.memory_space<vmem>>
      %dma_start3A_352 = arith.constant 0 : i32
      %dma_start3A_353 = arith.constant 0 : i32
      %dma_start3A_354 = tpu.memref_slice %arg3[%dma_start3A_352, %dma_start3A_353] : memref<100000x64xf32, #tpu.memory_space<hbm>> -> memref<100000x64xf32, #tpu.memory_space<hbm>>
      tpu.enqueue_indirect_dma source(%dma_start3A_354 : memref<100000x64xf32, #tpu.memory_space<hbm>>) target(%dma_start3A_348 : memref<128x64xf32, #tpu.memory_space<vmem>>) offsets(%dma_start3A_351 : memref<128xi32, #tpu.memory_space<vmem>>) semaphore(%arg8 : memref<!tpu.dma_semaphore, #tpu.memory_space<semaphore_mem>>)
      %mul3A_355 = arith.constant 5 : i32
      %mul3A_356 = arith.muli %mul3A_322, %mul3A_355 : i32
      %add3A_357 = arith.constant 2 : i32
      %add3A_358 = arith.addi %mul3A_356, %add3A_357 : i32
      %dma_start3A_359 = arith.constant 256 : i32
      %dma_start3A_360 = arith.constant 0 : i32
      %dma_start3A_361 = tpu.memref_slice %arg6[%dma_start3A_359, %dma_start3A_360] : memref<640x64xf32, #tpu.memory_space<vmem>> -> memref<128x64xf32, #tpu.memory_space<vmem>>
      %dma_start3A_362 = arith.constant 0 : i32
      %dma_start3A_363 = tpu.memref_slice %arg5[%add3A_358, %dma_start3A_362] : memref<100x128xi32, #tpu.memory_space<vmem>> -> memref<1x128xi32, #tpu.memory_space<vmem>>
      %dma_start3A_364 = tpu.memref_squeeze %dma_start3A_363 : memref<1x128xi32, #tpu.memory_space<vmem>> -> memref<128xi32, #tpu.memory_space<vmem>>
      %dma_start3A_365 = arith.constant 0 : i32
      %dma_start3A_366 = arith.constant 0 : i32
      %dma_start3A_367 = tpu.memref_slice %arg3[%dma_start3A_365, %dma_start3A_366] : memref<100000x64xf32, #tpu.memory_space<hbm>> -> memref<100000x64xf32, #tpu.memory_space<hbm>>
      tpu.enqueue_indirect_dma source(%dma_start3A_367 : memref<100000x64xf32, #tpu.memory_space<hbm>>) target(%dma_start3A_361 : memref<128x64xf32, #tpu.memory_space<vmem>>) offsets(%dma_start3A_364 : memref<128xi32, #tpu.memory_space<vmem>>) semaphore(%arg8 : memref<!tpu.dma_semaphore, #tpu.memory_space<semaphore_mem>>)
      %mul3A_368 = arith.constant 5 : i32
      %mul3A_369 = arith.muli %mul3A_322, %mul3A_368 : i32
      %add3A_370 = arith.constant 3 : i32
      %add3A_371 = arith.addi %mul3A_369, %add3A_370 : i32
      %dma_start3A_372 = arith.constant 384 : i32
      %dma_start3A_373 = arith.constant 0 : i32
      %dma_start3A_374 = tpu.memref_slice %arg6[%dma_start3A_372, %dma_start3A_373] : memref<640x64xf32, #tpu.memory_space<vmem>> -> memref<128x64xf32, #tpu.memory_space<vmem>>
      %dma_start3A_375 = arith.constant 0 : i32
      %dma_start3A_376 = tpu.memref_slice %arg5[%add3A_371, %dma_start3A_375] : memref<100x128xi32, #tpu.memory_space<vmem>> -> memref<1x128xi32, #tpu.memory_space<vmem>>
      %dma_start3A_377 = tpu.memref_squeeze %dma_start3A_376 : memref<1x128xi32, #tpu.memory_space<vmem>> -> memref<128xi32, #tpu.memory_space<vmem>>
      %dma_start3A_378 = arith.constant 0 : i32
      %dma_start3A_379 = arith.constant 0 : i32
      %dma_start3A_380 = tpu.memref_slice %arg3[%dma_start3A_378, %dma_start3A_379] : memref<100000x64xf32, #tpu.memory_space<hbm>> -> memref<100000x64xf32, #tpu.memory_space<hbm>>
      tpu.enqueue_indirect_dma source(%dma_start3A_380 : memref<100000x64xf32, #tpu.memory_space<hbm>>) target(%dma_start3A_374 : memref<128x64xf32, #tpu.memory_space<vmem>>) offsets(%dma_start3A_377 : memref<128xi32, #tpu.memory_space<vmem>>) semaphore(%arg8 : memref<!tpu.dma_semaphore, #tpu.memory_space<semaphore_mem>>)
      %mul3A_381 = arith.constant 5 : i32
      %mul3A_382 = arith.muli %mul3A_322, %mul3A_381 : i32
      %add3A_383 = arith.constant 4 : i32
      %add3A_384 = arith.addi %mul3A_382, %add3A_383 : i32
      %dma_start3A_385 = arith.constant 512 : i32
      %dma_start3A_386 = arith.constant 0 : i32
      %dma_start3A_387 = tpu.memref_slice %arg6[%dma_start3A_385, %dma_start3A_386] : memref<640x64xf32, #tpu.memory_space<vmem>> -> memref<128x64xf32, #tpu.memory_space<vmem>>
      %dma_start3A_388 = arith.constant 0 : i32
      %dma_start3A_389 = tpu.memref_slice %arg5[%add3A_384, %dma_start3A_388] : memref<100x128xi32, #tpu.memory_space<vmem>> -> memref<1x128xi32, #tpu.memory_space<vmem>>
      %dma_start3A_390 = tpu.memref_squeeze %dma_start3A_389 : memref<1x128xi32, #tpu.memory_space<vmem>> -> memref<128xi32, #tpu.memory_space<vmem>>
      %dma_start3A_391 = arith.constant 0 : i32
      %dma_start3A_392 = arith.constant 0 : i32
      %dma_start3A_393 = tpu.memref_slice %arg3[%dma_start3A_391, %dma_start3A_392] : memref<100000x64xf32, #tpu.memory_space<hbm>> -> memref<100000x64xf32, #tpu.memory_space<hbm>>
      tpu.enqueue_indirect_dma source(%dma_start3A_393 : memref<100000x64xf32, #tpu.memory_space<hbm>>) target(%dma_start3A_387 : memref<128x64xf32, #tpu.memory_space<vmem>>) offsets(%dma_start3A_390 : memref<128xi32, #tpu.memory_space<vmem>>) semaphore(%arg8 : memref<!tpu.dma_semaphore, #tpu.memory_space<semaphore_mem>>)
      %dma_wait3A_394 = arith.constant 0 : i32
      %dma_wait3A_395 = arith.constant 0 : i32
      %dma_wait3A_396 = tpu.memref_slice %arg6[%dma_wait3A_394, %dma_wait3A_395] : memref<640x64xf32, #tpu.memory_space<vmem>> -> memref<128x64xf32, #tpu.memory_space<vmem>>
      %dma_wait3A_397 = arith.constant 0 : i32
      %dma_wait3A_398 = tpu.memref_slice %arg5[%add3A_332, %dma_wait3A_397] : memref<100x128xi32, #tpu.memory_space<vmem>> -> memref<1x128xi32, #tpu.memory_space<vmem>>
      %dma_wait3A_399 = tpu.memref_squeeze %dma_wait3A_398 : memref<1x128xi32, #tpu.memory_space<vmem>> -> memref<128xi32, #tpu.memory_space<vmem>>
      %dma_wait3A_400 = arith.constant 0 : i32
      %dma_wait3A_401 = arith.constant 0 : i32
      %dma_wait3A_402 = tpu.memref_slice %arg3[%dma_wait3A_400, %dma_wait3A_401] : memref<100000x64xf32, #tpu.memory_space<hbm>> -> memref<100000x64xf32, #tpu.memory_space<hbm>>
      tpu.wait_indirect_dma semaphore(%arg8 : memref<!tpu.dma_semaphore, #tpu.memory_space<semaphore_mem>>) src(%dma_wait3A_402 : memref<100000x64xf32, #tpu.memory_space<hbm>>) dst(%dma_wait3A_396 : memref<128x64xf32, #tpu.memory_space<vmem>>)
      %mul3A_403 = arith.constant 5 : i32
      %mul3A_404 = arith.muli %mul3A_322, %mul3A_403 : i32
      %add3A_405 = arith.constant 50 : i32
      %add3A_406 = arith.addi %add3A_405, %mul3A_404 : i32
      %add3A_407 = arith.constant 0 : i32
      %add3A_408 = arith.addi %add3A_406, %add3A_407 : i32
      %dma_start3A_409 = arith.constant 0 : i32
      %dma_start3A_410 = arith.constant 0 : i32
      %dma_start3A_411 = tpu.memref_slice %arg6[%dma_start3A_409, %dma_start3A_410] : memref<640x64xf32, #tpu.memory_space<vmem>> -> memref<128x64xf32, #tpu.memory_space<vmem>>
      %dma_start3A_412 = arith.constant 0 : i32
      %dma_start3A_413 = tpu.memref_slice %arg5[%add3A_408, %dma_start3A_412] : memref<100x128xi32, #tpu.memory_space<vmem>> -> memref<1x128xi32, #tpu.memory_space<vmem>>
      %dma_start3A_414 = tpu.memref_squeeze %dma_start3A_413 : memref<1x128xi32, #tpu.memory_space<vmem>> -> memref<128xi32, #tpu.memory_space<vmem>>
      %dma_start3A_415 = arith.constant 0 : i32
      %dma_start3A_416 = arith.constant 0 : i32
      %dma_start3A_417 = tpu.memref_slice %arg4[%dma_start3A_415, %dma_start3A_416] : memref<458752x64xf32, #tpu.memory_space<hbm>> -> memref<458752x64xf32, #tpu.memory_space<hbm>>
      tpu.enqueue_indirect_dma source(%dma_start3A_411 : memref<128x64xf32, #tpu.memory_space<vmem>>) target(%dma_start3A_417 : memref<458752x64xf32, #tpu.memory_space<hbm>>) offsets(%dma_start3A_414 : memref<128xi32, #tpu.memory_space<vmem>>) semaphore(%arg9 : memref<!tpu.dma_semaphore, #tpu.memory_space<semaphore_mem>>)
      %dma_wait3A_418 = arith.constant 128 : i32
      %dma_wait3A_419 = arith.constant 0 : i32
      %dma_wait3A_420 = tpu.memref_slice %arg6[%dma_wait3A_418, %dma_wait3A_419] : memref<640x64xf32, #tpu.memory_space<vmem>> -> memref<128x64xf32, #tpu.memory_space<vmem>>
      %dma_wait3A_421 = arith.constant 0 : i32
      %dma_wait3A_422 = tpu.memref_slice %arg5[%add3A_345, %dma_wait3A_421] : memref<100x128xi32, #tpu.memory_space<vmem>> -> memref<1x128xi32, #tpu.memory_space<vmem>>
      %dma_wait3A_423 = tpu.memref_squeeze %dma_wait3A_422 : memref<1x128xi32, #tpu.memory_space<vmem>> -> memref<128xi32, #tpu.memory_space<vmem>>
      %dma_wait3A_424 = arith.constant 0 : i32
      %dma_wait3A_425 = arith.constant 0 : i32
      %dma_wait3A_426 = tpu.memref_slice %arg3[%dma_wait3A_424, %dma_wait3A_425] : memref<100000x64xf32, #tpu.memory_space<hbm>> -> memref<100000x64xf32, #tpu.memory_space<hbm>>
      tpu.wait_indirect_dma semaphore(%arg8 : memref<!tpu.dma_semaphore, #tpu.memory_space<semaphore_mem>>) src(%dma_wait3A_426 : memref<100000x64xf32, #tpu.memory_space<hbm>>) dst(%dma_wait3A_420 : memref<128x64xf32, #tpu.memory_space<vmem>>)
      %mul3A_427 = arith.constant 5 : i32
      %mul3A_428 = arith.muli %mul3A_322, %mul3A_427 : i32
      %add3A_429 = arith.constant 50 : i32
      %add3A_430 = arith.addi %add3A_429, %mul3A_428 : i32
      %add3A_431 = arith.constant 1 : i32
      %add3A_432 = arith.addi %add3A_430, %add3A_431 : i32
      %dma_start3A_433 = arith.constant 128 : i32
      %dma_start3A_434 = arith.constant 0 : i32
      %dma_start3A_435 = tpu.memref_slice %arg6[%dma_start3A_433, %dma_start3A_434] : memref<640x64xf32, #tpu.memory_space<vmem>> -> memref<128x64xf32, #tpu.memory_space<vmem>>
      %dma_start3A_436 = arith.constant 0 : i32
      %dma_start3A_437 = tpu.memref_slice %arg5[%add3A_432, %dma_start3A_436] : memref<100x128xi32, #tpu.memory_space<vmem>> -> memref<1x128xi32, #tpu.memory_space<vmem>>
      %dma_start3A_438 = tpu.memref_squeeze %dma_start3A_437 : memref<1x128xi32, #tpu.memory_space<vmem>> -> memref<128xi32, #tpu.memory_space<vmem>>
      %dma_start3A_439 = arith.constant 0 : i32
      %dma_start3A_440 = arith.constant 0 : i32
      %dma_start3A_441 = tpu.memref_slice %arg4[%dma_start3A_439, %dma_start3A_440] : memref<458752x64xf32, #tpu.memory_space<hbm>> -> memref<458752x64xf32, #tpu.memory_space<hbm>>
      tpu.enqueue_indirect_dma source(%dma_start3A_435 : memref<128x64xf32, #tpu.memory_space<vmem>>) target(%dma_start3A_441 : memref<458752x64xf32, #tpu.memory_space<hbm>>) offsets(%dma_start3A_438 : memref<128xi32, #tpu.memory_space<vmem>>) semaphore(%arg9 : memref<!tpu.dma_semaphore, #tpu.memory_space<semaphore_mem>>)
      %dma_wait3A_442 = arith.constant 256 : i32
      %dma_wait3A_443 = arith.constant 0 : i32
      %dma_wait3A_444 = tpu.memref_slice %arg6[%dma_wait3A_442, %dma_wait3A_443] : memref<640x64xf32, #tpu.memory_space<vmem>> -> memref<128x64xf32, #tpu.memory_space<vmem>>
      %dma_wait3A_445 = arith.constant 0 : i32
      %dma_wait3A_446 = tpu.memref_slice %arg5[%add3A_358, %dma_wait3A_445] : memref<100x128xi32, #tpu.memory_space<vmem>> -> memref<1x128xi32, #tpu.memory_space<vmem>>
      %dma_wait3A_447 = tpu.memref_squeeze %dma_wait3A_446 : memref<1x128xi32, #tpu.memory_space<vmem>> -> memref<128xi32, #tpu.memory_space<vmem>>
      %dma_wait3A_448 = arith.constant 0 : i32
      %dma_wait3A_449 = arith.constant 0 : i32
      %dma_wait3A_450 = tpu.memref_slice %arg3[%dma_wait3A_448, %dma_wait3A_449] : memref<100000x64xf32, #tpu.memory_space<hbm>> -> memref<100000x64xf32, #tpu.memory_space<hbm>>
      tpu.wait_indirect_dma semaphore(%arg8 : memref<!tpu.dma_semaphore, #tpu.memory_space<semaphore_mem>>) src(%dma_wait3A_450 : memref<100000x64xf32, #tpu.memory_space<hbm>>) dst(%dma_wait3A_444 : memref<128x64xf32, #tpu.memory_space<vmem>>)
      %mul3A_451 = arith.constant 5 : i32
      %mul3A_452 = arith.muli %mul3A_322, %mul3A_451 : i32
      %add3A_453 = arith.constant 50 : i32
      %add3A_454 = arith.addi %add3A_453, %mul3A_452 : i32
      %add3A_455 = arith.constant 2 : i32
      %add3A_456 = arith.addi %add3A_454, %add3A_455 : i32
      %dma_start3A_457 = arith.constant 256 : i32
      %dma_start3A_458 = arith.constant 0 : i32
      %dma_start3A_459 = tpu.memref_slice %arg6[%dma_start3A_457, %dma_start3A_458] : memref<640x64xf32, #tpu.memory_space<vmem>> -> memref<128x64xf32, #tpu.memory_space<vmem>>
      %dma_start3A_460 = arith.constant 0 : i32
      %dma_start3A_461 = tpu.memref_slice %arg5[%add3A_456, %dma_start3A_460] : memref<100x128xi32, #tpu.memory_space<vmem>> -> memref<1x128xi32, #tpu.memory_space<vmem>>
      %dma_start3A_462 = tpu.memref_squeeze %dma_start3A_461 : memref<1x128xi32, #tpu.memory_space<vmem>> -> memref<128xi32, #tpu.memory_space<vmem>>
      %dma_start3A_463 = arith.constant 0 : i32
      %dma_start3A_464 = arith.constant 0 : i32
      %dma_start3A_465 = tpu.memref_slice %arg4[%dma_start3A_463, %dma_start3A_464] : memref<458752x64xf32, #tpu.memory_space<hbm>> -> memref<458752x64xf32, #tpu.memory_space<hbm>>
      tpu.enqueue_indirect_dma source(%dma_start3A_459 : memref<128x64xf32, #tpu.memory_space<vmem>>) target(%dma_start3A_465 : memref<458752x64xf32, #tpu.memory_space<hbm>>) offsets(%dma_start3A_462 : memref<128xi32, #tpu.memory_space<vmem>>) semaphore(%arg9 : memref<!tpu.dma_semaphore, #tpu.memory_space<semaphore_mem>>)
      %dma_wait3A_466 = arith.constant 384 : i32
      %dma_wait3A_467 = arith.constant 0 : i32
      %dma_wait3A_468 = tpu.memref_slice %arg6[%dma_wait3A_466, %dma_wait3A_467] : memref<640x64xf32, #tpu.memory_space<vmem>> -> memref<128x64xf32, #tpu.memory_space<vmem>>
      %dma_wait3A_469 = arith.constant 0 : i32
      %dma_wait3A_470 = tpu.memref_slice %arg5[%add3A_371, %dma_wait3A_469] : memref<100x128xi32, #tpu.memory_space<vmem>> -> memref<1x128xi32, #tpu.memory_space<vmem>>
      %dma_wait3A_471 = tpu.memref_squeeze %dma_wait3A_470 : memref<1x128xi32, #tpu.memory_space<vmem>> -> memref<128xi32, #tpu.memory_space<vmem>>
      %dma_wait3A_472 = arith.constant 0 : i32
      %dma_wait3A_473 = arith.constant 0 : i32
      %dma_wait3A_474 = tpu.memref_slice %arg3[%dma_wait3A_472, %dma_wait3A_473] : memref<100000x64xf32, #tpu.memory_space<hbm>> -> memref<100000x64xf32, #tpu.memory_space<hbm>>
      tpu.wait_indirect_dma semaphore(%arg8 : memref<!tpu.dma_semaphore, #tpu.memory_space<semaphore_mem>>) src(%dma_wait3A_474 : memref<100000x64xf32, #tpu.memory_space<hbm>>) dst(%dma_wait3A_468 : memref<128x64xf32, #tpu.memory_space<vmem>>)
      %mul3A_475 = arith.constant 5 : i32
      %mul3A_476 = arith.muli %mul3A_322, %mul3A_475 : i32
      %add3A_477 = arith.constant 50 : i32
      %add3A_478 = arith.addi %add3A_477, %mul3A_476 : i32
      %add3A_479 = arith.constant 3 : i32
      %add3A_480 = arith.addi %add3A_478, %add3A_479 : i32
      %dma_start3A_481 = arith.constant 384 : i32
      %dma_start3A_482 = arith.constant 0 : i32
      %dma_start3A_483 = tpu.memref_slice %arg6[%dma_start3A_481, %dma_start3A_482] : memref<640x64xf32, #tpu.memory_space<vmem>> -> memref<128x64xf32, #tpu.memory_space<vmem>>
      %dma_start3A_484 = arith.constant 0 : i32
      %dma_start3A_485 = tpu.memref_slice %arg5[%add3A_480, %dma_start3A_484] : memref<100x128xi32, #tpu.memory_space<vmem>> -> memref<1x128xi32, #tpu.memory_space<vmem>>
      %dma_start3A_486 = tpu.memref_squeeze %dma_start3A_485 : memref<1x128xi32, #tpu.memory_space<vmem>> -> memref<128xi32, #tpu.memory_space<vmem>>
      %dma_start3A_487 = arith.constant 0 : i32
      %dma_start3A_488 = arith.constant 0 : i32
      %dma_start3A_489 = tpu.memref_slice %arg4[%dma_start3A_487, %dma_start3A_488] : memref<458752x64xf32, #tpu.memory_space<hbm>> -> memref<458752x64xf32, #tpu.memory_space<hbm>>
      tpu.enqueue_indirect_dma source(%dma_start3A_483 : memref<128x64xf32, #tpu.memory_space<vmem>>) target(%dma_start3A_489 : memref<458752x64xf32, #tpu.memory_space<hbm>>) offsets(%dma_start3A_486 : memref<128xi32, #tpu.memory_space<vmem>>) semaphore(%arg9 : memref<!tpu.dma_semaphore, #tpu.memory_space<semaphore_mem>>)
      %dma_wait3A_490 = arith.constant 512 : i32
      %dma_wait3A_491 = arith.constant 0 : i32
      %dma_wait3A_492 = tpu.memref_slice %arg6[%dma_wait3A_490, %dma_wait3A_491] : memref<640x64xf32, #tpu.memory_space<vmem>> -> memref<128x64xf32, #tpu.memory_space<vmem>>
      %dma_wait3A_493 = arith.constant 0 : i32
      %dma_wait3A_494 = tpu.memref_slice %arg5[%add3A_384, %dma_wait3A_493] : memref<100x128xi32, #tpu.memory_space<vmem>> -> memref<1x128xi32, #tpu.memory_space<vmem>>
      %dma_wait3A_495 = tpu.memref_squeeze %dma_wait3A_494 : memref<1x128xi32, #tpu.memory_space<vmem>> -> memref<128xi32, #tpu.memory_space<vmem>>
      %dma_wait3A_496 = arith.constant 0 : i32
      %dma_wait3A_497 = arith.constant 0 : i32
      %dma_wait3A_498 = tpu.memref_slice %arg3[%dma_wait3A_496, %dma_wait3A_497] : memref<100000x64xf32, #tpu.memory_space<hbm>> -> memref<100000x64xf32, #tpu.memory_space<hbm>>
      tpu.wait_indirect_dma semaphore(%arg8 : memref<!tpu.dma_semaphore, #tpu.memory_space<semaphore_mem>>) src(%dma_wait3A_498 : memref<100000x64xf32, #tpu.memory_space<hbm>>) dst(%dma_wait3A_492 : memref<128x64xf32, #tpu.memory_space<vmem>>)
      %mul3A_499 = arith.constant 5 : i32
      %mul3A_500 = arith.muli %mul3A_322, %mul3A_499 : i32
      %add3A_501 = arith.constant 50 : i32
      %add3A_502 = arith.addi %add3A_501, %mul3A_500 : i32
      %add3A_503 = arith.constant 4 : i32
      %add3A_504 = arith.addi %add3A_502, %add3A_503 : i32
      %dma_start3A_505 = arith.constant 512 : i32
      %dma_start3A_506 = arith.constant 0 : i32
      %dma_start3A_507 = tpu.memref_slice %arg6[%dma_start3A_505, %dma_start3A_506] : memref<640x64xf32, #tpu.memory_space<vmem>> -> memref<128x64xf32, #tpu.memory_space<vmem>>
      %dma_start3A_508 = arith.constant 0 : i32
      %dma_start3A_509 = tpu.memref_slice %arg5[%add3A_504, %dma_start3A_508] : memref<100x128xi32, #tpu.memory_space<vmem>> -> memref<1x128xi32, #tpu.memory_space<vmem>>
      %dma_start3A_510 = tpu.memref_squeeze %dma_start3A_509 : memref<1x128xi32, #tpu.memory_space<vmem>> -> memref<128xi32, #tpu.memory_space<vmem>>
      %dma_start3A_511 = arith.constant 0 : i32
      %dma_start3A_512 = arith.constant 0 : i32
      %dma_start3A_513 = tpu.memref_slice %arg4[%dma_start3A_511, %dma_start3A_512] : memref<458752x64xf32, #tpu.memory_space<hbm>> -> memref<458752x64xf32, #tpu.memory_space<hbm>>
      tpu.enqueue_indirect_dma source(%dma_start3A_507 : memref<128x64xf32, #tpu.memory_space<vmem>>) target(%dma_start3A_513 : memref<458752x64xf32, #tpu.memory_space<hbm>>) offsets(%dma_start3A_510 : memref<128xi32, #tpu.memory_space<vmem>>) semaphore(%arg9 : memref<!tpu.dma_semaphore, #tpu.memory_space<semaphore_mem>>)
      %mul3A_514 = arith.constant 2 : i32
      %mul3A_515 = arith.muli %mul3A_514, %scan3A_320 : i32
      %add3A_516 = arith.constant 1 : i32
      %add3A_517 = arith.addi %mul3A_515, %add3A_516 : i32
      %dma_wait3A_518 = arith.constant 0 : i32
      %dma_wait3A_519 = arith.constant 0 : i32
      %dma_wait3A_520 = tpu.memref_slice %arg4[%dma_wait3A_518, %dma_wait3A_519] : memref<458752x64xf32, #tpu.memory_space<hbm>> -> memref<640x64xf32, #tpu.memory_space<hbm>>
      %dma_wait3A_521 = arith.constant 0 : i32
      %dma_wait3A_522 = arith.constant 0 : i32
      %dma_wait3A_523 = tpu.memref_slice %arg4[%dma_wait3A_521, %dma_wait3A_522] : memref<458752x64xf32, #tpu.memory_space<hbm>> -> memref<640x64xf32, #tpu.memory_space<hbm>>
      tpu.wait_dma2 semaphore(%arg10 : memref<!tpu.dma_semaphore, #tpu.memory_space<semaphore_mem>>) src(%arg7 : memref<640x64xf32, #tpu.memory_space<vmem>>) dst(%dma_wait3A_523 : memref<640x64xf32, #tpu.memory_space<hbm>>)
      %mul3A_524 = arith.constant 5 : i32
      %mul3A_525 = arith.muli %add3A_517, %mul3A_524 : i32
      %add3A_526 = arith.constant 0 : i32
      %add3A_527 = arith.addi %mul3A_525, %add3A_526 : i32
      %dma_start3A_528 = arith.constant 0 : i32
      %dma_start3A_529 = arith.constant 0 : i32
      %dma_start3A_530 = tpu.memref_slice %arg7[%dma_start3A_528, %dma_start3A_529] : memref<640x64xf32, #tpu.memory_space<vmem>> -> memref<128x64xf32, #tpu.memory_space<vmem>>
      %dma_start3A_531 = arith.constant 0 : i32
      %dma_start3A_532 = tpu.memref_slice %arg5[%add3A_527, %dma_start3A_531] : memref<100x128xi32, #tpu.memory_space<vmem>> -> memref<1x128xi32, #tpu.memory_space<vmem>>
      %dma_start3A_533 = tpu.memref_squeeze %dma_start3A_532 : memref<1x128xi32, #tpu.memory_space<vmem>> -> memref<128xi32, #tpu.memory_space<vmem>>
      %dma_start3A_534 = arith.constant 0 : i32
      %dma_start3A_535 = arith.constant 0 : i32
      %dma_start3A_536 = tpu.memref_slice %arg3[%dma_start3A_534, %dma_start3A_535] : memref<100000x64xf32, #tpu.memory_space<hbm>> -> memref<100000x64xf32, #tpu.memory_space<hbm>>
      tpu.enqueue_indirect_dma source(%dma_start3A_536 : memref<100000x64xf32, #tpu.memory_space<hbm>>) target(%dma_start3A_530 : memref<128x64xf32, #tpu.memory_space<vmem>>) offsets(%dma_start3A_533 : memref<128xi32, #tpu.memory_space<vmem>>) semaphore(%arg8 : memref<!tpu.dma_semaphore, #tpu.memory_space<semaphore_mem>>)
      %mul3A_537 = arith.constant 5 : i32
      %mul3A_538 = arith.muli %add3A_517, %mul3A_537 : i32
      %add3A_539 = arith.constant 1 : i32
      %add3A_540 = arith.addi %mul3A_538, %add3A_539 : i32
      %dma_start3A_541 = arith.constant 128 : i32
      %dma_start3A_542 = arith.constant 0 : i32
      %dma_start3A_543 = tpu.memref_slice %arg7[%dma_start3A_541, %dma_start3A_542] : memref<640x64xf32, #tpu.memory_space<vmem>> -> memref<128x64xf32, #tpu.memory_space<vmem>>
      %dma_start3A_544 = arith.constant 0 : i32
      %dma_start3A_545 = tpu.memref_slice %arg5[%add3A_540, %dma_start3A_544] : memref<100x128xi32, #tpu.memory_space<vmem>> -> memref<1x128xi32, #tpu.memory_space<vmem>>
      %dma_start3A_546 = tpu.memref_squeeze %dma_start3A_545 : memref<1x128xi32, #tpu.memory_space<vmem>> -> memref<128xi32, #tpu.memory_space<vmem>>
      %dma_start3A_547 = arith.constant 0 : i32
      %dma_start3A_548 = arith.constant 0 : i32
      %dma_start3A_549 = tpu.memref_slice %arg3[%dma_start3A_547, %dma_start3A_548] : memref<100000x64xf32, #tpu.memory_space<hbm>> -> memref<100000x64xf32, #tpu.memory_space<hbm>>
      tpu.enqueue_indirect_dma source(%dma_start3A_549 : memref<100000x64xf32, #tpu.memory_space<hbm>>) target(%dma_start3A_543 : memref<128x64xf32, #tpu.memory_space<vmem>>) offsets(%dma_start3A_546 : memref<128xi32, #tpu.memory_space<vmem>>) semaphore(%arg8 : memref<!tpu.dma_semaphore, #tpu.memory_space<semaphore_mem>>)
      %mul3A_550 = arith.constant 5 : i32
      %mul3A_551 = arith.muli %add3A_517, %mul3A_550 : i32
      %add3A_552 = arith.constant 2 : i32
      %add3A_553 = arith.addi %mul3A_551, %add3A_552 : i32
      %dma_start3A_554 = arith.constant 256 : i32
      %dma_start3A_555 = arith.constant 0 : i32
      %dma_start3A_556 = tpu.memref_slice %arg7[%dma_start3A_554, %dma_start3A_555] : memref<640x64xf32, #tpu.memory_space<vmem>> -> memref<128x64xf32, #tpu.memory_space<vmem>>
      %dma_start3A_557 = arith.constant 0 : i32
      %dma_start3A_558 = tpu.memref_slice %arg5[%add3A_553, %dma_start3A_557] : memref<100x128xi32, #tpu.memory_space<vmem>> -> memref<1x128xi32, #tpu.memory_space<vmem>>
      %dma_start3A_559 = tpu.memref_squeeze %dma_start3A_558 : memref<1x128xi32, #tpu.memory_space<vmem>> -> memref<128xi32, #tpu.memory_space<vmem>>
      %dma_start3A_560 = arith.constant 0 : i32
      %dma_start3A_561 = arith.constant 0 : i32
      %dma_start3A_562 = tpu.memref_slice %arg3[%dma_start3A_560, %dma_start3A_561] : memref<100000x64xf32, #tpu.memory_space<hbm>> -> memref<100000x64xf32, #tpu.memory_space<hbm>>
      tpu.enqueue_indirect_dma source(%dma_start3A_562 : memref<100000x64xf32, #tpu.memory_space<hbm>>) target(%dma_start3A_556 : memref<128x64xf32, #tpu.memory_space<vmem>>) offsets(%dma_start3A_559 : memref<128xi32, #tpu.memory_space<vmem>>) semaphore(%arg8 : memref<!tpu.dma_semaphore, #tpu.memory_space<semaphore_mem>>)
      %mul3A_563 = arith.constant 5 : i32
      %mul3A_564 = arith.muli %add3A_517, %mul3A_563 : i32
      %add3A_565 = arith.constant 3 : i32
      %add3A_566 = arith.addi %mul3A_564, %add3A_565 : i32
      %dma_start3A_567 = arith.constant 384 : i32
      %dma_start3A_568 = arith.constant 0 : i32
      %dma_start3A_569 = tpu.memref_slice %arg7[%dma_start3A_567, %dma_start3A_568] : memref<640x64xf32, #tpu.memory_space<vmem>> -> memref<128x64xf32, #tpu.memory_space<vmem>>
      %dma_start3A_570 = arith.constant 0 : i32
      %dma_start3A_571 = tpu.memref_slice %arg5[%add3A_566, %dma_start3A_570] : memref<100x128xi32, #tpu.memory_space<vmem>> -> memref<1x128xi32, #tpu.memory_space<vmem>>
      %dma_start3A_572 = tpu.memref_squeeze %dma_start3A_571 : memref<1x128xi32, #tpu.memory_space<vmem>> -> memref<128xi32, #tpu.memory_space<vmem>>
      %dma_start3A_573 = arith.constant 0 : i32
      %dma_start3A_574 = arith.constant 0 : i32
      %dma_start3A_575 = tpu.memref_slice %arg3[%dma_start3A_573, %dma_start3A_574] : memref<100000x64xf32, #tpu.memory_space<hbm>> -> memref<100000x64xf32, #tpu.memory_space<hbm>>
      tpu.enqueue_indirect_dma source(%dma_start3A_575 : memref<100000x64xf32, #tpu.memory_space<hbm>>) target(%dma_start3A_569 : memref<128x64xf32, #tpu.memory_space<vmem>>) offsets(%dma_start3A_572 : memref<128xi32, #tpu.memory_space<vmem>>) semaphore(%arg8 : memref<!tpu.dma_semaphore, #tpu.memory_space<semaphore_mem>>)
      %mul3A_576 = arith.constant 5 : i32
      %mul3A_577 = arith.muli %add3A_517, %mul3A_576 : i32
      %add3A_578 = arith.constant 4 : i32
      %add3A_579 = arith.addi %mul3A_577, %add3A_578 : i32
      %dma_start3A_580 = arith.constant 512 : i32
      %dma_start3A_581 = arith.constant 0 : i32
      %dma_start3A_582 = tpu.memref_slice %arg7[%dma_start3A_580, %dma_start3A_581] : memref<640x64xf32, #tpu.memory_space<vmem>> -> memref<128x64xf32, #tpu.memory_space<vmem>>
      %dma_start3A_583 = arith.constant 0 : i32
      %dma_start3A_584 = tpu.memref_slice %arg5[%add3A_579, %dma_start3A_583] : memref<100x128xi32, #tpu.memory_space<vmem>> -> memref<1x128xi32, #tpu.memory_space<vmem>>
      %dma_start3A_585 = tpu.memref_squeeze %dma_start3A_584 : memref<1x128xi32, #tpu.memory_space<vmem>> -> memref<128xi32, #tpu.memory_space<vmem>>
      %dma_start3A_586 = arith.constant 0 : i32
      %dma_start3A_587 = arith.constant 0 : i32
      %dma_start3A_588 = tpu.memref_slice %arg3[%dma_start3A_586, %dma_start3A_587] : memref<100000x64xf32, #tpu.memory_space<hbm>> -> memref<100000x64xf32, #tpu.memory_space<hbm>>
      tpu.enqueue_indirect_dma source(%dma_start3A_588 : memref<100000x64xf32, #tpu.memory_space<hbm>>) target(%dma_start3A_582 : memref<128x64xf32, #tpu.memory_space<vmem>>) offsets(%dma_start3A_585 : memref<128xi32, #tpu.memory_space<vmem>>) semaphore(%arg8 : memref<!tpu.dma_semaphore, #tpu.memory_space<semaphore_mem>>)
      %dma_wait3A_589 = arith.constant 0 : i32
      %dma_wait3A_590 = arith.constant 0 : i32
      %dma_wait3A_591 = tpu.memref_slice %arg7[%dma_wait3A_589, %dma_wait3A_590] : memref<640x64xf32, #tpu.memory_space<vmem>> -> memref<128x64xf32, #tpu.memory_space<vmem>>
      %dma_wait3A_592 = arith.constant 0 : i32
      %dma_wait3A_593 = tpu.memref_slice %arg5[%add3A_527, %dma_wait3A_592] : memref<100x128xi32, #tpu.memory_space<vmem>> -> memref<1x128xi32, #tpu.memory_space<vmem>>
      %dma_wait3A_594 = tpu.memref_squeeze %dma_wait3A_593 : memref<1x128xi32, #tpu.memory_space<vmem>> -> memref<128xi32, #tpu.memory_space<vmem>>
      %dma_wait3A_595 = arith.constant 0 : i32
      %dma_wait3A_596 = arith.constant 0 : i32
      %dma_wait3A_597 = tpu.memref_slice %arg3[%dma_wait3A_595, %dma_wait3A_596] : memref<100000x64xf32, #tpu.memory_space<hbm>> -> memref<100000x64xf32, #tpu.memory_space<hbm>>
      tpu.wait_indirect_dma semaphore(%arg8 : memref<!tpu.dma_semaphore, #tpu.memory_space<semaphore_mem>>) src(%dma_wait3A_597 : memref<100000x64xf32, #tpu.memory_space<hbm>>) dst(%dma_wait3A_591 : memref<128x64xf32, #tpu.memory_space<vmem>>)
      %mul3A_598 = arith.constant 5 : i32
      %mul3A_599 = arith.muli %add3A_517, %mul3A_598 : i32
      %add3A_600 = arith.constant 50 : i32
      %add3A_601 = arith.addi %add3A_600, %mul3A_599 : i32
      %add3A_602 = arith.constant 0 : i32
      %add3A_603 = arith.addi %add3A_601, %add3A_602 : i32
      %dma_start3A_604 = arith.constant 0 : i32
      %dma_start3A_605 = arith.constant 0 : i32
      %dma_start3A_606 = tpu.memref_slice %arg7[%dma_start3A_604, %dma_start3A_605] : memref<640x64xf32, #tpu.memory_space<vmem>> -> memref<128x64xf32, #tpu.memory_space<vmem>>
      %dma_start3A_607 = arith.constant 0 : i32
      %dma_start3A_608 = tpu.memref_slice %arg5[%add3A_603, %dma_start3A_607] : memref<100x128xi32, #tpu.memory_space<vmem>> -> memref<1x128xi32, #tpu.memory_space<vmem>>
      %dma_start3A_609 = tpu.memref_squeeze %dma_start3A_608 : memref<1x128xi32, #tpu.memory_space<vmem>> -> memref<128xi32, #tpu.memory_space<vmem>>
      %dma_start3A_610 = arith.constant 0 : i32
      %dma_start3A_611 = arith.constant 0 : i32
      %dma_start3A_612 = tpu.memref_slice %arg4[%dma_start3A_610, %dma_start3A_611] : memref<458752x64xf32, #tpu.memory_space<hbm>> -> memref<458752x64xf32, #tpu.memory_space<hbm>>
      tpu.enqueue_indirect_dma source(%dma_start3A_606 : memref<128x64xf32, #tpu.memory_space<vmem>>) target(%dma_start3A_612 : memref<458752x64xf32, #tpu.memory_space<hbm>>) offsets(%dma_start3A_609 : memref<128xi32, #tpu.memory_space<vmem>>) semaphore(%arg10 : memref<!tpu.dma_semaphore, #tpu.memory_space<semaphore_mem>>)
      %dma_wait3A_613 = arith.constant 128 : i32
      %dma_wait3A_614 = arith.constant 0 : i32
      %dma_wait3A_615 = tpu.memref_slice %arg7[%dma_wait3A_613, %dma_wait3A_614] : memref<640x64xf32, #tpu.memory_space<vmem>> -> memref<128x64xf32, #tpu.memory_space<vmem>>
      %dma_wait3A_616 = arith.constant 0 : i32
      %dma_wait3A_617 = tpu.memref_slice %arg5[%add3A_540, %dma_wait3A_616] : memref<100x128xi32, #tpu.memory_space<vmem>> -> memref<1x128xi32, #tpu.memory_space<vmem>>
      %dma_wait3A_618 = tpu.memref_squeeze %dma_wait3A_617 : memref<1x128xi32, #tpu.memory_space<vmem>> -> memref<128xi32, #tpu.memory_space<vmem>>
      %dma_wait3A_619 = arith.constant 0 : i32
      %dma_wait3A_620 = arith.constant 0 : i32
      %dma_wait3A_621 = tpu.memref_slice %arg3[%dma_wait3A_619, %dma_wait3A_620] : memref<100000x64xf32, #tpu.memory_space<hbm>> -> memref<100000x64xf32, #tpu.memory_space<hbm>>
      tpu.wait_indirect_dma semaphore(%arg8 : memref<!tpu.dma_semaphore, #tpu.memory_space<semaphore_mem>>) src(%dma_wait3A_621 : memref<100000x64xf32, #tpu.memory_space<hbm>>) dst(%dma_wait3A_615 : memref<128x64xf32, #tpu.memory_space<vmem>>)
      %mul3A_622 = arith.constant 5 : i32
      %mul3A_623 = arith.muli %add3A_517, %mul3A_622 : i32
      %add3A_624 = arith.constant 50 : i32
      %add3A_625 = arith.addi %add3A_624, %mul3A_623 : i32
      %add3A_626 = arith.constant 1 : i32
      %add3A_627 = arith.addi %add3A_625, %add3A_626 : i32
      %dma_start3A_628 = arith.constant 128 : i32
      %dma_start3A_629 = arith.constant 0 : i32
      %dma_start3A_630 = tpu.memref_slice %arg7[%dma_start3A_628, %dma_start3A_629] : memref<640x64xf32, #tpu.memory_space<vmem>> -> memref<128x64xf32, #tpu.memory_space<vmem>>
      %dma_start3A_631 = arith.constant 0 : i32
      %dma_start3A_632 = tpu.memref_slice %arg5[%add3A_627, %dma_start3A_631] : memref<100x128xi32, #tpu.memory_space<vmem>> -> memref<1x128xi32, #tpu.memory_space<vmem>>
      %dma_start3A_633 = tpu.memref_squeeze %dma_start3A_632 : memref<1x128xi32, #tpu.memory_space<vmem>> -> memref<128xi32, #tpu.memory_space<vmem>>
      %dma_start3A_634 = arith.constant 0 : i32
      %dma_start3A_635 = arith.constant 0 : i32
      %dma_start3A_636 = tpu.memref_slice %arg4[%dma_start3A_634, %dma_start3A_635] : memref<458752x64xf32, #tpu.memory_space<hbm>> -> memref<458752x64xf32, #tpu.memory_space<hbm>>
      tpu.enqueue_indirect_dma source(%dma_start3A_630 : memref<128x64xf32, #tpu.memory_space<vmem>>) target(%dma_start3A_636 : memref<458752x64xf32, #tpu.memory_space<hbm>>) offsets(%dma_start3A_633 : memref<128xi32, #tpu.memory_space<vmem>>) semaphore(%arg10 : memref<!tpu.dma_semaphore, #tpu.memory_space<semaphore_mem>>)
      %dma_wait3A_637 = arith.constant 256 : i32
      %dma_wait3A_638 = arith.constant 0 : i32
      %dma_wait3A_639 = tpu.memref_slice %arg7[%dma_wait3A_637, %dma_wait3A_638] : memref<640x64xf32, #tpu.memory_space<vmem>> -> memref<128x64xf32, #tpu.memory_space<vmem>>
      %dma_wait3A_640 = arith.constant 0 : i32
      %dma_wait3A_641 = tpu.memref_slice %arg5[%add3A_553, %dma_wait3A_640] : memref<100x128xi32, #tpu.memory_space<vmem>> -> memref<1x128xi32, #tpu.memory_space<vmem>>
      %dma_wait3A_642 = tpu.memref_squeeze %dma_wait3A_641 : memref<1x128xi32, #tpu.memory_space<vmem>> -> memref<128xi32, #tpu.memory_space<vmem>>
      %dma_wait3A_643 = arith.constant 0 : i32
      %dma_wait3A_644 = arith.constant 0 : i32
      %dma_wait3A_645 = tpu.memref_slice %arg3[%dma_wait3A_643, %dma_wait3A_644] : memref<100000x64xf32, #tpu.memory_space<hbm>> -> memref<100000x64xf32, #tpu.memory_space<hbm>>
      tpu.wait_indirect_dma semaphore(%arg8 : memref<!tpu.dma_semaphore, #tpu.memory_space<semaphore_mem>>) src(%dma_wait3A_645 : memref<100000x64xf32, #tpu.memory_space<hbm>>) dst(%dma_wait3A_639 : memref<128x64xf32, #tpu.memory_space<vmem>>)
      %mul3A_646 = arith.constant 5 : i32
      %mul3A_647 = arith.muli %add3A_517, %mul3A_646 : i32
      %add3A_648 = arith.constant 50 : i32
      %add3A_649 = arith.addi %add3A_648, %mul3A_647 : i32
      %add3A_650 = arith.constant 2 : i32
      %add3A_651 = arith.addi %add3A_649, %add3A_650 : i32
      %dma_start3A_652 = arith.constant 256 : i32
      %dma_start3A_653 = arith.constant 0 : i32
      %dma_start3A_654 = tpu.memref_slice %arg7[%dma_start3A_652, %dma_start3A_653] : memref<640x64xf32, #tpu.memory_space<vmem>> -> memref<128x64xf32, #tpu.memory_space<vmem>>
      %dma_start3A_655 = arith.constant 0 : i32
      %dma_start3A_656 = tpu.memref_slice %arg5[%add3A_651, %dma_start3A_655] : memref<100x128xi32, #tpu.memory_space<vmem>> -> memref<1x128xi32, #tpu.memory_space<vmem>>
      %dma_start3A_657 = tpu.memref_squeeze %dma_start3A_656 : memref<1x128xi32, #tpu.memory_space<vmem>> -> memref<128xi32, #tpu.memory_space<vmem>>
      %dma_start3A_658 = arith.constant 0 : i32
      %dma_start3A_659 = arith.constant 0 : i32
      %dma_start3A_660 = tpu.memref_slice %arg4[%dma_start3A_658, %dma_start3A_659] : memref<458752x64xf32, #tpu.memory_space<hbm>> -> memref<458752x64xf32, #tpu.memory_space<hbm>>
      tpu.enqueue_indirect_dma source(%dma_start3A_654 : memref<128x64xf32, #tpu.memory_space<vmem>>) target(%dma_start3A_660 : memref<458752x64xf32, #tpu.memory_space<hbm>>) offsets(%dma_start3A_657 : memref<128xi32, #tpu.memory_space<vmem>>) semaphore(%arg10 : memref<!tpu.dma_semaphore, #tpu.memory_space<semaphore_mem>>)
      %dma_wait3A_661 = arith.constant 384 : i32
      %dma_wait3A_662 = arith.constant 0 : i32
      %dma_wait3A_663 = tpu.memref_slice %arg7[%dma_wait3A_661, %dma_wait3A_662] : memref<640x64xf32, #tpu.memory_space<vmem>> -> memref<128x64xf32, #tpu.memory_space<vmem>>
      %dma_wait3A_664 = arith.constant 0 : i32
      %dma_wait3A_665 = tpu.memref_slice %arg5[%add3A_566, %dma_wait3A_664] : memref<100x128xi32, #tpu.memory_space<vmem>> -> memref<1x128xi32, #tpu.memory_space<vmem>>
      %dma_wait3A_666 = tpu.memref_squeeze %dma_wait3A_665 : memref<1x128xi32, #tpu.memory_space<vmem>> -> memref<128xi32, #tpu.memory_space<vmem>>
      %dma_wait3A_667 = arith.constant 0 : i32
      %dma_wait3A_668 = arith.constant 0 : i32
      %dma_wait3A_669 = tpu.memref_slice %arg3[%dma_wait3A_667, %dma_wait3A_668] : memref<100000x64xf32, #tpu.memory_space<hbm>> -> memref<100000x64xf32, #tpu.memory_space<hbm>>
      tpu.wait_indirect_dma semaphore(%arg8 : memref<!tpu.dma_semaphore, #tpu.memory_space<semaphore_mem>>) src(%dma_wait3A_669 : memref<100000x64xf32, #tpu.memory_space<hbm>>) dst(%dma_wait3A_663 : memref<128x64xf32, #tpu.memory_space<vmem>>)
      %mul3A_670 = arith.constant 5 : i32
      %mul3A_671 = arith.muli %add3A_517, %mul3A_670 : i32
      %add3A_672 = arith.constant 50 : i32
      %add3A_673 = arith.addi %add3A_672, %mul3A_671 : i32
      %add3A_674 = arith.constant 3 : i32
      %add3A_675 = arith.addi %add3A_673, %add3A_674 : i32
      %dma_start3A_676 = arith.constant 384 : i32
      %dma_start3A_677 = arith.constant 0 : i32
      %dma_start3A_678 = tpu.memref_slice %arg7[%dma_start3A_676, %dma_start3A_677] : memref<640x64xf32, #tpu.memory_space<vmem>> -> memref<128x64xf32, #tpu.memory_space<vmem>>
      %dma_start3A_679 = arith.constant 0 : i32
      %dma_start3A_680 = tpu.memref_slice %arg5[%add3A_675, %dma_start3A_679] : memref<100x128xi32, #tpu.memory_space<vmem>> -> memref<1x128xi32, #tpu.memory_space<vmem>>
      %dma_start3A_681 = tpu.memref_squeeze %dma_start3A_680 : memref<1x128xi32, #tpu.memory_space<vmem>> -> memref<128xi32, #tpu.memory_space<vmem>>
      %dma_start3A_682 = arith.constant 0 : i32
      %dma_start3A_683 = arith.constant 0 : i32
      %dma_start3A_684 = tpu.memref_slice %arg4[%dma_start3A_682, %dma_start3A_683] : memref<458752x64xf32, #tpu.memory_space<hbm>> -> memref<458752x64xf32, #tpu.memory_space<hbm>>
      tpu.enqueue_indirect_dma source(%dma_start3A_678 : memref<128x64xf32, #tpu.memory_space<vmem>>) target(%dma_start3A_684 : memref<458752x64xf32, #tpu.memory_space<hbm>>) offsets(%dma_start3A_681 : memref<128xi32, #tpu.memory_space<vmem>>) semaphore(%arg10 : memref<!tpu.dma_semaphore, #tpu.memory_space<semaphore_mem>>)
      %dma_wait3A_685 = arith.constant 512 : i32
      %dma_wait3A_686 = arith.constant 0 : i32
      %dma_wait3A_687 = tpu.memref_slice %arg7[%dma_wait3A_685, %dma_wait3A_686] : memref<640x64xf32, #tpu.memory_space<vmem>> -> memref<128x64xf32, #tpu.memory_space<vmem>>
      %dma_wait3A_688 = arith.constant 0 : i32
      %dma_wait3A_689 = tpu.memref_slice %arg5[%add3A_579, %dma_wait3A_688] : memref<100x128xi32, #tpu.memory_space<vmem>> -> memref<1x128xi32, #tpu.memory_space<vmem>>
      %dma_wait3A_690 = tpu.memref_squeeze %dma_wait3A_689 : memref<1x128xi32, #tpu.memory_space<vmem>> -> memref<128xi32, #tpu.memory_space<vmem>>
      %dma_wait3A_691 = arith.constant 0 : i32
      %dma_wait3A_692 = arith.constant 0 : i32
      %dma_wait3A_693 = tpu.memref_slice %arg3[%dma_wait3A_691, %dma_wait3A_692] : memref<100000x64xf32, #tpu.memory_space<hbm>> -> memref<100000x64xf32, #tpu.memory_space<hbm>>
      tpu.wait_indirect_dma semaphore(%arg8 : memref<!tpu.dma_semaphore, #tpu.memory_space<semaphore_mem>>) src(%dma_wait3A_693 : memref<100000x64xf32, #tpu.memory_space<hbm>>) dst(%dma_wait3A_687 : memref<128x64xf32, #tpu.memory_space<vmem>>)
      %mul3A_694 = arith.constant 5 : i32
      %mul3A_695 = arith.muli %add3A_517, %mul3A_694 : i32
      %add3A_696 = arith.constant 50 : i32
      %add3A_697 = arith.addi %add3A_696, %mul3A_695 : i32
      %add3A_698 = arith.constant 4 : i32
      %add3A_699 = arith.addi %add3A_697, %add3A_698 : i32
      %dma_start3A_700 = arith.constant 512 : i32
      %dma_start3A_701 = arith.constant 0 : i32
      %dma_start3A_702 = tpu.memref_slice %arg7[%dma_start3A_700, %dma_start3A_701] : memref<640x64xf32, #tpu.memory_space<vmem>> -> memref<128x64xf32, #tpu.memory_space<vmem>>
      %dma_start3A_703 = arith.constant 0 : i32
      %dma_start3A_704 = tpu.memref_slice %arg5[%add3A_699, %dma_start3A_703] : memref<100x128xi32, #tpu.memory_space<vmem>> -> memref<1x128xi32, #tpu.memory_space<vmem>>
      %dma_start3A_705 = tpu.memref_squeeze %dma_start3A_704 : memref<1x128xi32, #tpu.memory_space<vmem>> -> memref<128xi32, #tpu.memory_space<vmem>>
      %dma_start3A_706 = arith.constant 0 : i32
      %dma_start3A_707 = arith.constant 0 : i32
      %dma_start3A_708 = tpu.memref_slice %arg4[%dma_start3A_706, %dma_start3A_707] : memref<458752x64xf32, #tpu.memory_space<hbm>> -> memref<458752x64xf32, #tpu.memory_space<hbm>>
      tpu.enqueue_indirect_dma source(%dma_start3A_702 : memref<128x64xf32, #tpu.memory_space<vmem>>) target(%dma_start3A_708 : memref<458752x64xf32, #tpu.memory_space<hbm>>) offsets(%dma_start3A_705 : memref<128xi32, #tpu.memory_space<vmem>>) semaphore(%arg10 : memref<!tpu.dma_semaphore, #tpu.memory_space<semaphore_mem>>)
    }
    %scan3A_307 = arith.constant 4 : i32
    %dma_wait3A_308 = arith.constant 0 : i32
    %dma_wait3A_309 = arith.constant 0 : i32
    %dma_wait3A_310 = tpu.memref_slice %arg4[%dma_wait3A_308, %dma_wait3A_309] : memref<458752x64xf32, #tpu.memory_space<hbm>> -> memref<640x64xf32, #tpu.memory_space<hbm>>
    %dma_wait3A_311 = arith.constant 0 : i32
    %dma_wait3A_312 = arith.constant 0 : i32
    %dma_wait3A_313 = tpu.memref_slice %arg4[%dma_wait3A_311, %dma_wait3A_312] : memref<458752x64xf32, #tpu.memory_space<hbm>> -> memref<640x64xf32, #tpu.memory_space<hbm>>
    tpu.wait_dma2 semaphore(%arg9 : memref<!tpu.dma_semaphore, #tpu.memory_space<semaphore_mem>>) src(%arg6 : memref<640x64xf32, #tpu.memory_space<vmem>>) dst(%dma_wait3A_313 : memref<640x64xf32, #tpu.memory_space<hbm>>)
    %dma_wait3A_314 = arith.constant 0 : i32
    %dma_wait3A_315 = arith.constant 0 : i32
    %dma_wait3A_316 = tpu.memref_slice %arg4[%dma_wait3A_314, %dma_wait3A_315] : memref<458752x64xf32, #tpu.memory_space<hbm>> -> memref<640x64xf32, #tpu.memory_space<hbm>>
    %dma_wait3A_317 = arith.constant 0 : i32
    %dma_wait3A_318 = arith.constant 0 : i32
    %dma_wait3A_319 = tpu.memref_slice %arg4[%dma_wait3A_317, %dma_wait3A_318] : memref<458752x64xf32, #tpu.memory_space<hbm>> -> memref<640x64xf32, #tpu.memory_space<hbm>>
    tpu.wait_dma2 semaphore(%arg10 : memref<!tpu.dma_semaphore, #tpu.memory_space<semaphore_mem>>) src(%arg7 : memref<640x64xf32, #tpu.memory_space<vmem>>) dst(%dma_wait3A_319 : memref<640x64xf32, #tpu.memory_space<hbm>>)
    return
  }
}

</mosaic_0001>

<sc_bundles>
// kernel: kernel.3.cloned.1.call-start
scs
__scs_entry_jumppad:
0x0: {  	(pc) =	sbr.rel $0x88, $3  }
0x1: {  	(tag) =	ssettag $0x0;
	lr =	simm.s32 $0x1  }
0x2: {  	[smem:$0x3F9F] =	sst lr;
	_ =	strace $0xD0000000  }
0x3: {  	_ = 	snop  }
0x4: {  	_ = 	snop  }
0x5: {  	_ = 	snop  }
0x6: {  	_ = 	snop  }
0x7: {  	_ = 	snop  }
__scs_overlays_trampoline_lowered:
0x8: {  	[smem:$0x3FAE] =	sst s0  }
0x9: {  	[smem:$0x3FAF] =	sst s1  }
0xa: {  	[smem:$0x3FB0] =	sst s2  }
0xb: {  	[smem:$0x3FB1] =	sst s3  }
0xc: {  	[smem:$0x3FB2] =	sst s4  }
0xd: {  	[smem:$0x3FB3] =	sst s5  }
0xe: {  	[smem:$0x3FB4] =	sst s6  }
0xf: {  	[smem:$0x3FB5] =	sst s7  }
0x10: {  	[smem:$0x3FB6] =	sst s8  }
0x11: {  	[smem:$0x3FB7] =	sst s9;
	s0 =	simm.s32 @!p0 $0x0  }
0x12: {  	s1 =	sld [smem:$0x3F9D];
	s0 =	simm.s32 @p0 $0x1  }
0x13: {  	[smem:$0x3FB8] =	sst s0;
	s0 =	simm.s32 @!p1 $0x0  }
0x14: {  	s2 =	sld [smem:$0x3F9C];
	s0 =	simm.s32 @p1 $0x1  }
0x15: {  	[smem:$0x3FB9] =	sst s0;
	s0 =	simm.s32 @!p2 $0x0  }
0x16: {  	s3 =	sld [smem:$0x3FDB];
	s0 =	simm.s32 @p2 $0x1  }
0x17: {  	s4 =	simm.s32 $0x1BF5;
	[smem:$0x3FBB] =	sst s0  }
0x18: {  	s0 =	sld [smem:$0x3F9E];
	_ =	swait.ge [sflag:s4], $0x0  }
0x19: {  	s7 =	sld [smem:$0x3F9F]  }
0x1a: {  	s8 =	sadd.s32 $0xFFFFE003, lr  }
0x1b: {  	s9 =	sadd.s32 $0xFFFFFEF7, lr;
	s5 =	simm.s32 $0xFFFFFFFF;
	p2 =	slt.u32 s8, $0xFFFFF086  }
0x1c: {  	p1 =	slt.u32 s9, $0xF7A;
	s5 =	simm.s32 @!p2 $0x0  }
0x1d: {  	s5 =	simm.s32 @p1 $0x1;
	p0 =	seq.s32 s7, s2  }
0x1e: {  	s7 =	smul.u32 @!p0 $0xF7A, s2;
	p2 =	seq.s32 @!p0 s5, $0x0  }
0x1f: {  	s9 =	smul.u32 $0xF7A, s1;
	s8 =	simm.s32 @!p0 $0x1BF5;
	p2 =	por !p2, p0  }
0x20: {  	[sflag:s8] =	ssyncset.s32 @!p0 $0xFFFFF086;
	s6 =	sadd.s32 @!p0 s3, s7;
	s7 =	simm.s32 @!p0 $0x108  }
0x21: {  	s3 =	sadd.s32 s3, s9;
	s6 =	sadd.s32 @!p0 $0x88, s6;
	s7 =	simm.s32 @p2 $0x1082  }
0x22: {  	[simem:s7], [sflag:s8] =	dma.local @!p0 [hbm:s6], $0xF7A  }
0x23: {  	s9 =	sor.u32 $0xD0000000, s2;
	s6 =	simm.s32 $0x108;
	_ =	swait.ge @!p0 [sflag:s8], $0x0  }
0x24: {  	s3 =	sadd.s32 $0x88, s3;
	s6 =	simm.s32 @!p1 $0x1082;
	[sflag:s4] =	ssyncset.s32 $0xFFFFF086  }
0x25: {  	[simem:s6], [sflag:s4] =	dma.local [hbm:s3], $0xF7A  }
0x26: {  	[smem:$0x3F9F] =	sst s1;
	(tag) =	ssettag s2;
	_ =	strace s9  }
0x27: {  	s1 =	sld [smem:$0x3FAF]  }
0x28: {  	s2 =	sld [smem:$0x3FB0]  }
0x29: {  	s4 =	sld [smem:$0x3FB2]  }
0x2a: {  	p0 =	seq.s32 s5, $0x0;
	s5 =	sld [smem:$0x3FB3]  }
0x2b: {  	s6 =	sld [smem:$0x3FB4]  }
0x2c: {  	s7 =	sld [smem:$0x3FB5]  }
0x2d: {  	s3 =	simm.s32 $0x108;
	s8 =	sld [smem:$0x3FB6]  }
0x2e: {  	s3 =	simm.s32 @!p0 $0x1082;
	s9 =	sld [smem:$0x3FB7]  }
0x2f: {  	lr =	sadd.s32 s0, s3;
	s0 =	sld [smem:$0x3FAE]  }
0x30: {  	s3 =	sld [smem:$0x3FB1]  }
0x31: {  	[smem:$0x3FBA] =	sst s10  }
0x32: {  	s10 =	sld [smem:$0x3FB8];
	_ =	sdelay $0x3  }
0x33: {  	p0 =	seq.s32 s10, $0x1;
	s10 =	sld [smem:$0x3FBA];
	_ =	sdelay $0x3  }
0x34: {  	[smem:$0x3FBA] =	sst s10  }
0x35: {  	s10 =	sld [smem:$0x3FB9];
	_ =	sdelay $0x3  }
0x36: {  	p1 =	seq.s32 s10, $0x1;
	s10 =	sld [smem:$0x3FBA];
	_ =	sdelay $0x3  }
0x37: {  	[smem:$0x3FBA] =	sst s10  }
0x38: {  	s10 =	sld [smem:$0x3FBB]  }
0x39: {  	_ = 	snop;
	(pc) =	sbr.ind lr, $3  }
0x3a: {  	_ = 	snop  }
0x3b: {  	_ = 	snop  }
0x3c: {  	p2 =	seq.s32 s10, $0x1;
	s10 =	sld [smem:$0x3FBA]  }
0x3d: {  	_ =	shalt  }
0x3e: {  	_ =	shalt  }
0x3f: {  	_ =	shalt  }
0x40: {  	_ =	shalt  }
0x41: {  	_ =	shalt  }
0x42: {  	_ =	shalt  }
0x43: {  	_ =	shalt  }
0x44: {  	_ =	shalt  }
0x45: {  	_ =	shalt  }
0x46: {  	_ =	shalt  }
0x47: {  	_ =	shalt  }
0x48: {  	_ =	shalt  }
0x49: {  	_ =	shalt  }
0x4a: {  	_ =	shalt  }
0x4b: {  	_ =	shalt  }
0x4c: {  	_ =	shalt  }
0x4d: {  	_ =	shalt  }
0x4e: {  	_ =	shalt  }
0x4f: {  	_ =	shalt  }
0x50: {  	_ =	shalt  }
0x51: {  	_ =	shalt  }
0x52: {  	_ =	shalt  }
0x53: {  	_ =	shalt  }
0x54: {  	_ =	shalt  }
0x55: {  	_ =	shalt  }
0x56: {  	_ =	shalt  }
0x57: {  	_ =	shalt  }
0x58: {  	_ =	shalt  }
0x59: {  	_ =	shalt  }
0x5a: {  	_ =	shalt  }
0x5b: {  	_ =	shalt  }
0x5c: {  	_ =	shalt  }
0x5d: {  	_ =	shalt  }
0x5e: {  	_ =	shalt  }
0x5f: {  	_ =	shalt  }
0x60: {  	_ =	shalt  }
0x61: {  	_ =	shalt  }
0x62: {  	_ =	shalt  }
0x63: {  	_ =	shalt  }
0x64: {  	_ =	shalt  }
0x65: {  	_ =	shalt  }
0x66: {  	_ =	shalt  }
0x67: {  	_ =	shalt  }
0x68: {  	_ =	shalt  }
0x69: {  	_ =	shalt  }
0x6a: {  	_ =	shalt  }
0x6b: {  	_ =	shalt  }
0x6c: {  	_ =	shalt  }
0x6d: {  	_ =	shalt  }
0x6e: {  	_ =	shalt  }
0x6f: {  	_ =	shalt  }
0x70: {  	_ =	shalt  }
0x71: {  	_ =	shalt  }
0x72: {  	_ =	shalt  }
0x73: {  	_ =	shalt  }
0x74: {  	_ =	shalt  }
0x75: {  	_ =	shalt  }
0x76: {  	_ =	shalt  }
0x77: {  	_ =	shalt  }
0x78: {  	_ =	shalt  }
0x79: {  	_ =	shalt  }
0x7a: {  	_ =	shalt  }
0x7b: {  	_ =	shalt  }
0x7c: {  	_ =	shalt  }
0x7d: {  	_ =	shalt  }
0x7e: {  	_ =	shalt  }
0x7f: {  	_ =	shalt  }
0x80: {  	_ =	shalt  }
0x81: {  	_ =	shalt  }
0x82: {  	_ =	shalt  }
0x83: {  	_ =	shalt  }
0x84: {  	_ =	shalt  }
0x85: {  	_ =	shalt  }
0x86: {  	_ =	shalt  }
0x87: {  	_ =	shalt  }
.Lfunc_end0:
.L_simem_size_0:
called_computation.1_lowered:
.L_overlay_start_0:
0x88: {  	s2 =	sld [smem:$0x3FD9]  }
0x89: {  	s3 =	sld [smem:$0x3FFE];
	_ =	sdelay $0x1  }
0x8a: {  	s1 =	srdreg.scid  }
0x8b: {  	s0 =	sand.u32 $0x1, s1  }
0x8c: {  	s16 =	sshll.u32 s0, $0xA;
	s2 =	sadd.s32 s3, s2  }
0x8d: {  	s2 =	sadd.s32 s2, s16  }
0x8e: {  	[smem:$0x3FC6] =	sst s2  }
0x8f: {  	_ = 	snop  }
0x90: {  	(tm) =	ssettm $0x1  }
0x91: {  	s17 =	sld [smem:$0x3FFB];
	_ =	sdelay $0x3  }
0x92: {  	_ =	strace s17  }
0x93: {  	s2 =	sld [smem:$0x3FFC];
	_ =	sdelay $0x3  }
0x94: {  	_ =	strace s2  }
0x95: {  	s2 =	sld [smem:$0x3FFD];
	_ =	sdelay $0x3  }
0x96: {  	_ =	strace s2  }
0x97: {  	_ =	strace $0x8FFFFFFF  }
0x98: {  	s18 =	sld [smem:$0x3FDB];
	_ =	sdelay $0x1  }
0x99: {  	s19 =	simm.s32 $_scs_section_size  }
0x9a: {  	s4 =	simm.s32 $_size__tile_overlayer_lowered;
	s5 =	simm.s32 $_tile_overlayer_lowered  }
0x9b: {  	s22 =	simm.s32 $0x1BFF;
	s21 =	sshll.u32 s5, $0x1;
	s2 =	sadd.s32 s19, s18  }
0x9c: {  	s6 =	simm.s32 $0x0;
	s20 =	sshll.u32 s4, $0x1;
	s4 =	sadd.s32 s21, s2  }
0x9d: {  	[timem:s6], [sflag:s22] =	dma.local [hbm:s4], s20  }
0x9e: {  	_ =	swait.ge [sflag:s22], s20  }
0x9f: {  	s3 =	ssub.s32 $0x0, s20;
	[sflag:s22] =	ssyncset.done $0x0  }
0xa0: {  	[sflag:s22] =	ssyncadd.s32 s3;
	_ =	sdelay $0x1  }
0xa1: {  	s23 =	simm.s32 $0x1B8B  }
0xa2: {  	_ =	swait.ge [sflag:s23], $0x1  }
0xa3: {  	[sflag:s23] =	ssyncset.done $0x0  }
0xa4: {  	s25 =	simm.s32 $0x1B8E;
	s24 =	sld [smem:$0x3FFE];
	[sflag:s23] =	ssyncadd.s32 $0xFFFFFFFF  }
0xa5: {  	s26 =	simm.s32 $execute0_lowered;
	[smem:$0x3FD2] =	sst s25  }
0xa6: {  	s4 =	sshll.u32 s26, $0x1;
	_ =	strace $0x80000046;
	[dreg:$0x1] =	wrdreg $0xFFFFFFFF  }
0xa7: {  	s28 =	simm.s32 $_size_execute0_lowered;
	s2 =	sadd.s32 s2, s4;
	[dreg:$0x0] =	wrdreg $0x0  }
0xa8: {  	s4 =	sshll.u32 s28, $0x1;
	[dreg:$0x2] =	wrdreg s2  }
0xa9: {  	[dreg:$0x3] =	wrdreg s4  }
0xaa: {  	[dreg:$0x4] =	wrdreg $0xC0  }
0xab: {  	_ =	task [dreg:s6], $0x5FFFF  }
0xac: {  	[dreg:$0x1] =	wrdreg $0xFFFFFFFF  }
0xad: {  	[dreg:$0x0] =	wrdreg $0x60  }
0xae: {  	[dreg:$0x2] =	wrdreg s24  }
0xaf: {  	[dreg:$0x3] =	wrdreg $0x9  }
0xb0: {  	_ =	task.clear_ibuf [dreg:s6], $0x4FFFF;
	_ =	strace $0x90000046  }
0xb1: {  	s29 =	simm.s32 $0x9;
	_ =	strace $0x80000048  }
0xb2: {  	_ =	swait.ge [sflag:s29], $0x1  }
0xb3: {  	[sflag:s29] =	ssyncadd.s32 $0xFFFFFFFF  }
0xb4: {  	_ =	strace $0x90000048  }
0xb5: {  	_ =	sfence  }
0xb6: {  	s30 =	sld [smem:$0x0];
	_ =	sdelay $0x2  }
0xb7: {  	s31 =	sshll.u32 s1, $0xD;
	s1 =	sshrl.u32 s1, $0x2  }
0xb8: {  	s3 =	sand.u32 $0x4000, s31;
	s1 =	sadd.s32 s1, s30  }
0xb9: {  	s0 =	sor.u32 s3, s0;
	s1 =	sshll.u32 s1, $0x11  }
0xba: {  	s0 =	sor.u32 s1, s0  }
0xbb: {  	s0 =	sadd.s32 $0x8F2B, s0  }
0xbc: {  	[sflag:s0] =	ssyncadd.remote.s32 $0x1  }
0xbd: {  	_ =	sfence.sel $0xFFFF  }
0xbe: {  	[dreg:$0x0] =	wrdreg $0xFFFFFFFF;
	(pc) =	sbr.abs _section_cstart, $3  }
0xbf: {  	[dreg:$0x1] =	wrdreg $0xFFFFFFFF  }
0xc0: {  	_ =	task.clear_ibuf [dreg:s6], $0x2FFFF;
	_ =	strace $0x9FFFFFFF  }
0xc1: {  	(tm) =	ssettm $0x7FFFFFFF  }
tec
execute0_lowered:
.L_overlay_start_1:
0x0: {  	(tag) =	ssettag $0x1  }
0x1: {  	s0 =	srdreg.scid;
	s1 =	stileid.u32  }
0x2: {  	s4 =	rddreg [dreg:$0x0];
	s2 =	simm.s32 $0x0;
	s7 =	simm.s32 $0x4  }
0x3: {  	s8 =	simm.s32 $0x80;
	s9 =	simm.s32 $0x3200;
	s10 =	simm.s32 $0x5200  }
0x4: {  	s12 =	simm.s32 $0x7200;
	s14 =	simm.s32 $0x9200;
	s16 =	simm.s32 $0xB200  }
0x5: {  	s17 =	simm.s32 $0x1;
	s24 =	simm.s32 $0xD200;
	s26 =	simm.s32 $0xF200  }
0x6: {  	s29 =	simm.s32 $0x11200;
	s30 =	simm.s32 $0x400;
	s31 =	simm.s32 $0x13200  }
0x7: {  	s11 =	simm.s32 $0x1B80;
	s13 =	simm.s32 $0x1C00;
	s15 =	simm.s32 $0x1C80  }
0x8: {  	s18 =	simm.s32 $0x1D00;
	s19 =	simm.s32 $0x1D80;
	s20 =	simm.s32 $0x2  }
0x9: {  	s21 =	simm.s32 $0x3;
	s0 =	sand.u32 $0x1, s0;
	s1 =	sshll.u32 s1, $0x1  }
0xa: {  	s22 =	simm.s32 $0x0;
	s1 =	sor.u32 s0, s1;
	s0 =	ssub.s32 $0x2, s0  }
0xb: {  	[smem:$0x7FF] =	sst s2;
	s1 =	smul.u32 $0x640, s1;
	s5 =	sshrl.u32 s0, $0x1  }
0xc: {  	s3 =	sadd.s32 $0xD000, s4;
	_ =	strace $0x80000047;
	s0 =	ssub.s32 s0, s5  }
0xd: {  	s1 =	sadd.s32 s1, s4;
	s4 =	sadd.s32 $0xD0600, s4;
	s6 =	smax.u32 s0, $0x1  }
0xe: {  	s0 =	simm.s32 $0x15200;
	s5 =	sadd.s32 $0x800, s1;
	s1 =	simm.s32 $0x480  }
.LBB2_1:
0xf: {  	[tilespmem:s2], [sflag:$0x4] =	stream.linear.gather [hbm4b:s5+s2], $0x3200, $0x38;
	[tilespmem:$0x17200] =	vst v63  }
0x10: {  	_ =	swait.ge [sflag:s7], $0x3200  }
0x11: {  	[sflag:s7] =	ssyncset.done $0x0  }
0x12: {  	[sflag:s7] =	ssyncadd.s32 $0xFFFFCE00  }
0x13: {  	[tilespmem:s9], [sflag:$0x1] =	stream.indirect.gather [hbm4b:s3+s8], $0x40, s2, s8, $0xb8;
	[tilespmem:$0x17200] =	vst v63  }
0x14: {  	_ = 	snop  }
0x15: {  	[tilespmem:s10], [sflag:$0x1] =	stream.indirect.gather [hbm4b:s3+s8], $0x40, s8, s8, $0xb8;
	[tilespmem:$0x17200] =	vst v63  }
0x16: {  	s23 =	simm.s32 $0x100  }
0x17: {  	[tilespmem:s12], [sflag:$0x1] =	stream.indirect.gather [hbm4b:s3+s8], $0x40, s23, s8, $0xb8;
	[tilespmem:$0x17200] =	vst v63  }
0x18: {  	s28 =	simm.s32 $0x180  }
0x19: {  	[tilespmem:s14], [sflag:$0x1] =	stream.indirect.gather [hbm4b:s3+s8], $0x40, s28, s8, $0xb8;
	[tilespmem:$0x17200] =	vst v63  }
0x1a: {  	s25 =	simm.s32 $0x200  }
0x1b: {  	[tilespmem:s16], [sflag:$0x1] =	stream.indirect.gather [hbm4b:s3+s8], $0x40, s25, s8, $0xb8;
	[tilespmem:$0x17200] =	vst v63  }
0x1c: {  	_ =	swait.ge [sflag:s17], $0x2000  }
0x1d: {  	[sflag:s17] =	ssyncset.done $0x0  }
0x1e: {  	s28 =	simm.s32 $0x1900;
	[sflag:s17] =	ssyncadd.s32 $0xFFFFE000  }
0x1f: {  	[hbm4b:s4+s8] =	stream.indirect.scatter [tilespmem:s9], [sflag:$0x2], $0x40, s28, s8, $0xb8;
	[tilespmem:$0x17200] =	vst v63  }
0x20: {  	_ =	swait.ge [sflag:s17], $0x2000  }
0x21: {  	[sflag:s17] =	ssyncset.done $0x0  }
0x22: {  	s25 =	simm.s32 $0x1980;
	[sflag:s17] =	ssyncadd.s32 $0xFFFFE000  }
0x23: {  	[hbm4b:s4+s8] =	stream.indirect.scatter [tilespmem:s10], [sflag:$0x2], $0x40, s25, s8, $0xb8;
	[tilespmem:$0x17200] =	vst v63  }
0x24: {  	_ =	swait.ge [sflag:s17], $0x2000  }
0x25: {  	[sflag:s17] =	ssyncset.done $0x0  }
0x26: {  	s28 =	simm.s32 $0x1A00;
	[sflag:s17] =	ssyncadd.s32 $0xFFFFE000  }
0x27: {  	[hbm4b:s4+s8] =	stream.indirect.scatter [tilespmem:s12], [sflag:$0x2], $0x40, s28, s8, $0xb8;
	[tilespmem:$0x17200] =	vst v63  }
0x28: {  	_ =	swait.ge [sflag:s17], $0x2000  }
0x29: {  	[sflag:s17] =	ssyncset.done $0x0  }
0x2a: {  	s25 =	simm.s32 $0x1A80;
	[sflag:s17] =	ssyncadd.s32 $0xFFFFE000  }
0x2b: {  	[hbm4b:s4+s8] =	stream.indirect.scatter [tilespmem:s14], [sflag:$0x2], $0x40, s25, s8, $0xb8;
	[tilespmem:$0x17200] =	vst v63  }
0x2c: {  	_ =	swait.ge [sflag:s17], $0x2000  }
0x2d: {  	[sflag:s17] =	ssyncset.done $0x0  }
0x2e: {  	s28 =	simm.s32 $0x1B00;
	[sflag:s17] =	ssyncadd.s32 $0xFFFFE000  }
0x2f: {  	[hbm4b:s4+s8] =	stream.indirect.scatter [tilespmem:s16], [sflag:$0x2], $0x40, s28, s8, $0xb8;
	[tilespmem:$0x17200] =	vst v63  }
0x30: {  	s25 =	simm.s32 $0x280  }
0x31: {  	[tilespmem:s24], [sflag:$0x1] =	stream.indirect.gather [hbm4b:s3+s8], $0x40, s25, s8, $0xb8;
	[tilespmem:$0x17200] =	vst v63  }
0x32: {  	s28 =	simm.s32 $0x300  }
0x33: {  	[tilespmem:s26], [sflag:$0x1] =	stream.indirect.gather [hbm4b:s3+s8], $0x40, s28, s8, $0xb8;
	[tilespmem:$0x17200] =	vst v63  }
0x34: {  	s25 =	simm.s32 $0x380  }
0x35: {  	[tilespmem:s29], [sflag:$0x1] =	stream.indirect.gather [hbm4b:s3+s8], $0x40, s25, s8, $0xb8;
	[tilespmem:$0x17200] =	vst v63  }
0x36: {  	_ = 	snop  }
0x37: {  	[tilespmem:s31], [sflag:$0x1] =	stream.indirect.gather [hbm4b:s3+s8], $0x40, s30, s8, $0xb8;
	[tilespmem:$0x17200] =	vst v63  }
0x38: {  	_ = 	snop  }
0x39: {  	[tilespmem:s0], [sflag:$0x1] =	stream.indirect.gather [hbm4b:s3+s8], $0x40, s1, s8, $0xb8;
	[tilespmem:$0x17200] =	vst v63  }
0x3a: {  	_ =	swait.ge [sflag:s17], $0x2000  }
0x3b: {  	[sflag:s17] =	ssyncset.done $0x0  }
0x3c: {  	[sflag:s17] =	ssyncadd.s32 $0xFFFFE000  }
0x3d: {  	[hbm4b:s4+s8] =	stream.indirect.scatter [tilespmem:s24], [sflag:$0x3], $0x40, s11, s8, $0xb8;
	[tilespmem:$0x17200] =	vst v63  }
0x3e: {  	_ =	swait.ge [sflag:s17], $0x2000  }
0x3f: {  	[sflag:s17] =	ssyncset.done $0x0  }
0x40: {  	[sflag:s17] =	ssyncadd.s32 $0xFFFFE000  }
0x41: {  	[hbm4b:s4+s8] =	stream.indirect.scatter [tilespmem:s26], [sflag:$0x3], $0x40, s13, s8, $0xb8;
	[tilespmem:$0x17200] =	vst v63  }
0x42: {  	_ =	swait.ge [sflag:s17], $0x2000  }
0x43: {  	[sflag:s17] =	ssyncset.done $0x0  }
0x44: {  	[sflag:s17] =	ssyncadd.s32 $0xFFFFE000  }
0x45: {  	[hbm4b:s4+s8] =	stream.indirect.scatter [tilespmem:s29], [sflag:$0x3], $0x40, s15, s8, $0xb8;
	[tilespmem:$0x17200] =	vst v63  }
0x46: {  	_ =	swait.ge [sflag:s17], $0x2000  }
0x47: {  	[sflag:s17] =	ssyncset.done $0x0  }
0x48: {  	[sflag:s17] =	ssyncadd.s32 $0xFFFFE000  }
0x49: {  	[hbm4b:s4+s8] =	stream.indirect.scatter [tilespmem:s31], [sflag:$0x3], $0x40, s18, s8, $0xb8;
	[tilespmem:$0x17200] =	vst v63  }
0x4a: {  	_ =	swait.ge [sflag:s17], $0x2000  }
0x4b: {  	[sflag:s17] =	ssyncset.done $0x0  }
0x4c: {  	[sflag:s17] =	ssyncadd.s32 $0xFFFFE000  }
0x4d: {  	[hbm4b:s4+s8] =	stream.indirect.scatter [tilespmem:s0], [sflag:$0x3], $0x40, s19, s8, $0xb8;
	[tilespmem:$0x17200] =	vst v63  }
0x4e: {  	_ =	swait.ge [sflag:s20], $0xA000  }
0x4f: {  	[sflag:s20] =	ssyncset.done $0x0  }
0x50: {  	s28 =	simm.s32 $0x500;
	[sflag:s20] =	ssyncadd.s32 $0xFFFF6000  }
0x51: {  	[tilespmem:s9], [sflag:$0x1] =	stream.indirect.gather [hbm4b:s3+s8], $0x40, s28, s8, $0xb8;
	[tilespmem:$0x17200] =	vst v63  }
0x52: {  	s25 =	simm.s32 $0x580  }
0x53: {  	[tilespmem:s10], [sflag:$0x1] =	stream.indirect.gather [hbm4b:s3+s8], $0x40, s25, s8, $0xb8;
	[tilespmem:$0x17200] =	vst v63  }
0x54: {  	s28 =	simm.s32 $0x600  }
0x55: {  	[tilespmem:s12], [sflag:$0x1] =	stream.indirect.gather [hbm4b:s3+s8], $0x40, s28, s8, $0xb8;
	[tilespmem:$0x17200] =	vst v63  }
0x56: {  	s25 =	simm.s32 $0x680  }
0x57: {  	[tilespmem:s14], [sflag:$0x1] =	stream.indirect.gather [hbm4b:s3+s8], $0x40, s25, s8, $0xb8;
	[tilespmem:$0x17200] =	vst v63  }
0x58: {  	s28 =	simm.s32 $0x700  }
0x59: {  	[tilespmem:s16], [sflag:$0x1] =	stream.indirect.gather [hbm4b:s3+s8], $0x40, s28, s8, $0xb8;
	[tilespmem:$0x17200] =	vst v63  }
0x5a: {  	_ =	swait.ge [sflag:s17], $0x2000  }
0x5b: {  	[sflag:s17] =	ssyncset.done $0x0  }
0x5c: {  	s25 =	simm.s32 $0x1E00;
	[sflag:s17] =	ssyncadd.s32 $0xFFFFE000  }
0x5d: {  	[hbm4b:s4+s8] =	stream.indirect.scatter [tilespmem:s9], [sflag:$0x2], $0x40, s25, s8, $0xb8;
	[tilespmem:$0x17200] =	vst v63  }
0x5e: {  	_ =	swait.ge [sflag:s17], $0x2000  }
0x5f: {  	[sflag:s17] =	ssyncset.done $0x0  }
0x60: {  	s28 =	simm.s32 $0x1E80;
	[sflag:s17] =	ssyncadd.s32 $0xFFFFE000  }
0x61: {  	[hbm4b:s4+s8] =	stream.indirect.scatter [tilespmem:s10], [sflag:$0x2], $0x40, s28, s8, $0xb8;
	[tilespmem:$0x17200] =	vst v63  }
0x62: {  	_ =	swait.ge [sflag:s17], $0x2000  }
0x63: {  	[sflag:s17] =	ssyncset.done $0x0  }
0x64: {  	s25 =	simm.s32 $0x1F00;
	[sflag:s17] =	ssyncadd.s32 $0xFFFFE000  }
0x65: {  	[hbm4b:s4+s8] =	stream.indirect.scatter [tilespmem:s12], [sflag:$0x2], $0x40, s25, s8, $0xb8;
	[tilespmem:$0x17200] =	vst v63  }
0x66: {  	_ =	swait.ge [sflag:s17], $0x2000  }
0x67: {  	[sflag:s17] =	ssyncset.done $0x0  }
0x68: {  	s28 =	simm.s32 $0x1F80;
	[sflag:s17] =	ssyncadd.s32 $0xFFFFE000  }
0x69: {  	[hbm4b:s4+s8] =	stream.indirect.scatter [tilespmem:s14], [sflag:$0x2], $0x40, s28, s8, $0xb8;
	[tilespmem:$0x17200] =	vst v63  }
0x6a: {  	_ =	swait.ge [sflag:s17], $0x2000  }
0x6b: {  	[sflag:s17] =	ssyncset.done $0x0  }
0x6c: {  	s25 =	simm.s32 $0x2000;
	[sflag:s17] =	ssyncadd.s32 $0xFFFFE000  }
0x6d: {  	[hbm4b:s4+s8] =	stream.indirect.scatter [tilespmem:s16], [sflag:$0x2], $0x40, s25, s8, $0xb8;
	[tilespmem:$0x17200] =	vst v63  }
0x6e: {  	_ =	swait.ge [sflag:s21], $0xA000  }
0x6f: {  	[sflag:s21] =	ssyncset.done $0x0  }
0x70: {  	s28 =	simm.s32 $0x780;
	[sflag:s21] =	ssyncadd.s32 $0xFFFF6000  }
0x71: {  	[tilespmem:s24], [sflag:$0x1] =	stream.indirect.gather [hbm4b:s3+s8], $0x40, s28, s8, $0xb8;
	[tilespmem:$0x17200] =	vst v63  }
0x72: {  	s25 =	simm.s32 $0x800  }
0x73: {  	[tilespmem:s26], [sflag:$0x1] =	stream.indirect.gather [hbm4b:s3+s8], $0x40, s25, s8, $0xb8;
	[tilespmem:$0x17200] =	vst v63  }
0x74: {  	s28 =	simm.s32 $0x880  }
0x75: {  	[tilespmem:s29], [sflag:$0x1] =	stream.indirect.gather [hbm4b:s3+s8], $0x40, s28, s8, $0xb8;
	[tilespmem:$0x17200] =	vst v63  }
0x76: {  	s25 =	simm.s32 $0x900  }
0x77: {  	[tilespmem:s31], [sflag:$0x1] =	stream.indirect.gather [hbm4b:s3+s8], $0x40, s25, s8, $0xb8;
	[tilespmem:$0x17200] =	vst v63  }
0x78: {  	s28 =	simm.s32 $0x980  }
0x79: {  	[tilespmem:s0], [sflag:$0x1] =	stream.indirect.gather [hbm4b:s3+s8], $0x40, s28, s8, $0xb8;
	[tilespmem:$0x17200] =	vst v63  }
0x7a: {  	_ =	swait.ge [sflag:s17], $0x2000  }
0x7b: {  	[sflag:s17] =	ssyncset.done $0x0  }
0x7c: {  	s25 =	simm.s32 $0x2080;
	[sflag:s17] =	ssyncadd.s32 $0xFFFFE000  }
0x7d: {  	[hbm4b:s4+s8] =	stream.indirect.scatter [tilespmem:s24], [sflag:$0x3], $0x40, s25, s8, $0xb8;
	[tilespmem:$0x17200] =	vst v63  }
0x7e: {  	_ =	swait.ge [sflag:s17], $0x2000  }
0x7f: {  	[sflag:s17] =	ssyncset.done $0x0  }
0x80: {  	s28 =	simm.s32 $0x2100;
	[sflag:s17] =	ssyncadd.s32 $0xFFFFE000  }
0x81: {  	[hbm4b:s4+s8] =	stream.indirect.scatter [tilespmem:s26], [sflag:$0x3], $0x40, s28, s8, $0xb8;
	[tilespmem:$0x17200] =	vst v63  }
0x82: {  	_ =	swait.ge [sflag:s17], $0x2000  }
0x83: {  	[sflag:s17] =	ssyncset.done $0x0  }
0x84: {  	s25 =	simm.s32 $0x2180;
	[sflag:s17] =	ssyncadd.s32 $0xFFFFE000  }
0x85: {  	[hbm4b:s4+s8] =	stream.indirect.scatter [tilespmem:s29], [sflag:$0x3], $0x40, s25, s8, $0xb8;
	[tilespmem:$0x17200] =	vst v63  }
0x86: {  	_ =	swait.ge [sflag:s17], $0x2000  }
0x87: {  	[sflag:s17] =	ssyncset.done $0x0  }
0x88: {  	s28 =	simm.s32 $0x2200;
	[sflag:s17] =	ssyncadd.s32 $0xFFFFE000  }
0x89: {  	[hbm4b:s4+s8] =	stream.indirect.scatter [tilespmem:s31], [sflag:$0x3], $0x40, s28, s8, $0xb8;
	[tilespmem:$0x17200] =	vst v63  }
0x8a: {  	_ =	swait.ge [sflag:s17], $0x2000  }
0x8b: {  	[sflag:s17] =	ssyncset.done $0x0  }
0x8c: {  	s23 =	simm.s32 $0x1400;
	s25 =	simm.s32 $0x2280;
	[sflag:s17] =	ssyncadd.s32 $0xFFFFE000  }
.LBB2_2:
0x8d: {  	[hbm4b:s4+s8] =	stream.indirect.scatter [tilespmem:s0], [sflag:$0x3], $0x40, s25, s8, $0xb8;
	[tilespmem:$0x17200] =	vst v63  }
0x8e: {  	s25 =	smov.u32 s23  }
0x8f: {  	p0 =	sne.s32 s23, $0x3C00;
	s23 =	sadd.s32 $0x1400, s23;
	_ =	swait.ge [sflag:s20], $0xA000  }
0x90: {  	s25 =	sshra.s32 s25, $0x2;
	[sflag:s20] =	ssyncset.done $0x0  }
0x91: {  	s28 =	sadd.s32 $0x500, s25;
	[sflag:s20] =	ssyncadd.s32 $0xFFFF6000  }
0x92: {  	[tilespmem:s9], [sflag:$0x1] =	stream.indirect.gather [hbm4b:s3+s8], $0x40, s28, s8, $0xb8;
	[tilespmem:$0x17200] =	vst v63  }
0x93: {  	s28 =	sadd.s32 $0x580, s25  }
0x94: {  	[tilespmem:s10], [sflag:$0x1] =	stream.indirect.gather [hbm4b:s3+s8], $0x40, s28, s8, $0xb8;
	[tilespmem:$0x17200] =	vst v63  }
0x95: {  	s28 =	sadd.s32 $0x600, s25  }
0x96: {  	[tilespmem:s12], [sflag:$0x1] =	stream.indirect.gather [hbm4b:s3+s8], $0x40, s28, s8, $0xb8;
	[tilespmem:$0x17200] =	vst v63  }
0x97: {  	s28 =	sadd.s32 $0x680, s25  }
0x98: {  	[tilespmem:s14], [sflag:$0x1] =	stream.indirect.gather [hbm4b:s3+s8], $0x40, s28, s8, $0xb8;
	[tilespmem:$0x17200] =	vst v63  }
0x99: {  	s28 =	sadd.s32 $0x700, s25  }
0x9a: {  	[tilespmem:s16], [sflag:$0x1] =	stream.indirect.gather [hbm4b:s3+s8], $0x40, s28, s8, $0xb8;
	[tilespmem:$0x17200] =	vst v63  }
0x9b: {  	_ =	swait.ge [sflag:s17], $0x2000  }
0x9c: {  	[sflag:s17] =	ssyncset.done $0x0  }
0x9d: {  	s28 =	sadd.s32 $0x1E00, s25;
	[sflag:s17] =	ssyncadd.s32 $0xFFFFE000  }
0x9e: {  	[hbm4b:s4+s8] =	stream.indirect.scatter [tilespmem:s9], [sflag:$0x2], $0x40, s28, s8, $0xb8;
	[tilespmem:$0x17200] =	vst v63  }
0x9f: {  	_ =	swait.ge [sflag:s17], $0x2000  }
0xa0: {  	[sflag:s17] =	ssyncset.done $0x0  }
0xa1: {  	s28 =	sadd.s32 $0x1E80, s25;
	[sflag:s17] =	ssyncadd.s32 $0xFFFFE000  }
0xa2: {  	[hbm4b:s4+s8] =	stream.indirect.scatter [tilespmem:s10], [sflag:$0x2], $0x40, s28, s8, $0xb8;
	[tilespmem:$0x17200] =	vst v63  }
0xa3: {  	_ =	swait.ge [sflag:s17], $0x2000  }
0xa4: {  	[sflag:s17] =	ssyncset.done $0x0  }
0xa5: {  	s28 =	sadd.s32 $0x1F00, s25;
	[sflag:s17] =	ssyncadd.s32 $0xFFFFE000  }
0xa6: {  	[hbm4b:s4+s8] =	stream.indirect.scatter [tilespmem:s12], [sflag:$0x2], $0x40, s28, s8, $0xb8;
	[tilespmem:$0x17200] =	vst v63  }
0xa7: {  	_ =	swait.ge [sflag:s17], $0x2000  }
0xa8: {  	[sflag:s17] =	ssyncset.done $0x0  }
0xa9: {  	s28 =	sadd.s32 $0x1F80, s25;
	[sflag:s17] =	ssyncadd.s32 $0xFFFFE000  }
0xaa: {  	[hbm4b:s4+s8] =	stream.indirect.scatter [tilespmem:s14], [sflag:$0x2], $0x40, s28, s8, $0xb8;
	[tilespmem:$0x17200] =	vst v63  }
0xab: {  	_ =	swait.ge [sflag:s17], $0x2000  }
0xac: {  	[sflag:s17] =	ssyncset.done $0x0  }
0xad: {  	s28 =	sadd.s32 $0x2000, s25;
	[sflag:s17] =	ssyncadd.s32 $0xFFFFE000  }
0xae: {  	[hbm4b:s4+s8] =	stream.indirect.scatter [tilespmem:s16], [sflag:$0x2], $0x40, s28, s8, $0xb8;
	[tilespmem:$0x17200] =	vst v63  }
0xaf: {  	_ =	swait.ge [sflag:s21], $0xA000  }
0xb0: {  	[sflag:s21] =	ssyncset.done $0x0  }
0xb1: {  	s28 =	sadd.s32 $0x780, s25;
	[sflag:s21] =	ssyncadd.s32 $0xFFFF6000  }
0xb2: {  	[tilespmem:s24], [sflag:$0x1] =	stream.indirect.gather [hbm4b:s3+s8], $0x40, s28, s8, $0xb8;
	[tilespmem:$0x17200] =	vst v63  }
0xb3: {  	s28 =	sadd.s32 $0x800, s25  }
0xb4: {  	[tilespmem:s26], [sflag:$0x1] =	stream.indirect.gather [hbm4b:s3+s8], $0x40, s28, s8, $0xb8;
	[tilespmem:$0x17200] =	vst v63  }
0xb5: {  	s28 =	sadd.s32 $0x880, s25  }
0xb6: {  	[tilespmem:s29], [sflag:$0x1] =	stream.indirect.gather [hbm4b:s3+s8], $0x40, s28, s8, $0xb8;
	[tilespmem:$0x17200] =	vst v63  }
0xb7: {  	s28 =	sadd.s32 $0x900, s25  }
0xb8: {  	[tilespmem:s31], [sflag:$0x1] =	stream.indirect.gather [hbm4b:s3+s8], $0x40, s28, s8, $0xb8;
	[tilespmem:$0x17200] =	vst v63  }
0xb9: {  	s28 =	sadd.s32 $0x980, s25  }
0xba: {  	[tilespmem:s0], [sflag:$0x1] =	stream.indirect.gather [hbm4b:s3+s8], $0x40, s28, s8, $0xb8;
	[tilespmem:$0x17200] =	vst v63  }
0xbb: {  	_ =	swait.ge [sflag:s17], $0x2000  }
0xbc: {  	[sflag:s17] =	ssyncset.done $0x0  }
0xbd: {  	s28 =	sadd.s32 $0x2080, s25;
	[sflag:s17] =	ssyncadd.s32 $0xFFFFE000  }
0xbe: {  	[hbm4b:s4+s8] =	stream.indirect.scatter [tilespmem:s24], [sflag:$0x3], $0x40, s28, s8, $0xb8;
	[tilespmem:$0x17200] =	vst v63  }
0xbf: {  	_ =	swait.ge [sflag:s17], $0x2000  }
0xc0: {  	[sflag:s17] =	ssyncset.done $0x0  }
0xc1: {  	s28 =	sadd.s32 $0x2100, s25;
	[sflag:s17] =	ssyncadd.s32 $0xFFFFE000  }
0xc2: {  	[hbm4b:s4+s8] =	stream.indirect.scatter [tilespmem:s26], [sflag:$0x3], $0x40, s28, s8, $0xb8;
	[tilespmem:$0x17200] =	vst v63  }
0xc3: {  	_ =	swait.ge [sflag:s17], $0x2000  }
0xc4: {  	[sflag:s17] =	ssyncset.done $0x0  }
0xc5: {  	s28 =	sadd.s32 $0x2180, s25;
	[sflag:s17] =	ssyncadd.s32 $0xFFFFE000  }
0xc6: {  	[hbm4b:s4+s8] =	stream.indirect.scatter [tilespmem:s29], [sflag:$0x3], $0x40, s28, s8, $0xb8;
	[tilespmem:$0x17200] =	vst v63  }
0xc7: {  	_ =	swait.ge [sflag:s17], $0x2000  }
0xc8: {  	[sflag:s17] =	ssyncset.done $0x0  }
.Ltmp0:
0xc9: {  	s28 =	sadd.s32 $0x2200, s25;
	[sflag:s17] =	ssyncadd.s32 $0xFFFFE000;
	(pc) =	sbr.rel @p0 .LBB2_2-.Ltmp0, $4  }
0xca: {  	[hbm4b:s4+s8] =	stream.indirect.scatter [tilespmem:s31], [sflag:$0x3], $0x40, s28, s8, $0xb8;
	[tilespmem:$0x17200] =	vst v63  }
0xcb: {  	_ =	swait.ge [sflag:s17], $0x2000  }
0xcc: {  	[sflag:s17] =	ssyncset.done $0x0  }
0xcd: {  	s25 =	sadd.s32 $0x2280, s25;
	[sflag:s17] =	ssyncadd.s32 $0xFFFFE000  }
0xce: {  	[hbm4b:s4+s8] =	stream.indirect.scatter [tilespmem:s0], [sflag:$0x3], $0x40, s25, s8, $0xb8;
	[tilespmem:$0x17200] =	vst v63  }
0xcf: {  	s22 =	sadd.s32 $0x1, s22  }
0xd0: {  	_ =	swait.ge [sflag:s20], $0xA000;
	p0 =	sne.s32 s22, s6  }
.Ltmp1:
0xd1: {  	[sflag:s20] =	ssyncset.done $0x0;
	(pc) =	sbr.rel @p0 .LBB2_1-.Ltmp1, $4  }
0xd2: {  	[sflag:s20] =	ssyncadd.s32 $0xFFFF6000  }
0xd3: {  	_ =	swait.ge [sflag:s21], $0xA000  }
0xd4: {  	[sflag:s21] =	ssyncset.done $0x0  }
0xd5: {  	[sflag:s21] =	ssyncadd.s32 $0xFFFF6000  }
0xd6: {  	_ =	sfence.sel $0x180000  }
0xd7: {  	[bflag:$0x0] =	sbarrier.arrive $0xFFFF  }
0xd8: {  	_ =	strace $0x90000047  }
0xd9: {  	s0 =	stileid.u32;
	[bflag:$0x2] =	sbarrier.arrive $0xFFFF  }
0xda: {  	p0 =	sne.s32 s0, $0x0;
	s0 =	rddreg [dreg:$0x1]  }
0xdb: {  	s0 =	sadd.s32 @!p0 $0x100000, s0  }
0xdc: {  	[sflag:s0] =	ssyncadd.tile.s32 @!p0 $0x1;
	_ =	shalt  }
.Lfunc_end2:
_tile_overlayer_lowered:
.L_overlay_start_2:
0xdd: {  	(tag) =	ssettag $0x2  }
0xde: {  	s0 =	rddreg [dreg:$0x0];
	s2 =	stileid.u32  }
0xdf: {  	s1 =	rddreg [dreg:$0x1];
	p0 =	sne.s32 s2, $0x0  }
0xe0: {  	s3 =	rddreg [dreg:$0x2];
	[bflag:$0x3] =	sbarrier.arrive $0xFFFF;
	s2 =	simm.s32 @!p0 $0x1C04  }
0xe1: {  	[timem:s3], [sflag:s2] =	dma.local @!p0 [hbm:s0], s1  }
0xe2: {  	s0 =	simm.s32 @!p0 $0x4  }
0xe3: {  	_ =	swait.ge @!p0 [sflag:s0], s1  }
0xe4: {  	s1 =	ssub.s32 @!p0 $0x0, s1;
	[sflag:s0] =	ssyncset.done @!p0 $0x0  }
0xe5: {  	[sflag:s0] =	ssyncadd.s32 @!p0 s1  }
0xe6: {  	[bflag:$0x3] =	sbarrier.arrive $0xFFFF  }
0xe7: {  	_ =	shalt  }

// kernel: sparse-core-data-format-call.cloned.1.call-start
scs
called_computation_lowered:
.L_overlay_start_0:
0x0: {  	s2 =	sld [smem:$0x3FD9]  }
0x1: {  	s3 =	sld [smem:$0x3FFE];
	_ =	sdelay $0x1  }
0x2: {  	s1 =	srdreg.scid  }
0x3: {  	s0 =	sand.u32 $0x1, s1  }
0x4: {  	s18 =	sshll.u32 s0, $0xA;
	s2 =	sadd.s32 s3, s2  }
0x5: {  	s2 =	sadd.s32 s2, s18  }
0x6: {  	[smem:$0x3FC6] =	sst s2  }
0x7: {  	_ = 	snop  }
0x8: {  	s2 =	sld [smem:$0x3FD0];
	(tm) =	ssettm $0x1  }
0x9: {  	s19 =	sld [smem:$0x3FFB];
	_ =	sdelay $0x3  }
0xa: {  	_ =	strace s19  }
0xb: {  	s3 =	sld [smem:$0x3FFC];
	_ =	sdelay $0x3  }
0xc: {  	_ =	strace s3  }
0xd: {  	s3 =	sld [smem:$0x3FFD];
	_ =	sdelay $0x3  }
0xe: {  	_ =	strace s3  }
0xf: {  	_ =	strace $0x8FFFFFFF  }
0x10: {  	s20 =	sld [smem:$0x3FDB];
	_ =	sdelay $0x1  }
0x11: {  	s4 =	simm.s32 $_scs_section_size  }
0x12: {  	s5 =	simm.s32 $_size__tile_overlayer_lowered;
	s6 =	simm.s32 $_tile_overlayer_lowered  }
0x13: {  	s23 =	simm.s32 $0x1BFF;
	s22 =	sshll.u32 s6, $0x1;
	s3 =	sadd.s32 s4, s20  }
0x14: {  	s7 =	simm.s32 $0x0;
	s21 =	sshll.u32 s5, $0x1;
	s5 =	sadd.s32 s22, s3  }
0x15: {  	[timem:s7], [sflag:s23] =	dma.local [hbm:s5], s21  }
0x16: {  	_ =	swait.ge [sflag:s23], s21  }
0x17: {  	s4 =	ssub.s32 $0x0, s21;
	[sflag:s23] =	ssyncset.done $0x0  }
0x18: {  	[sflag:s23] =	ssyncadd.s32 s4;
	_ =	sdelay $0x1  }
0x19: {  	s24 =	simm.s32 $0x1B8B  }
0x1a: {  	_ =	swait.ge [sflag:s24], $0x1  }
0x1b: {  	[sflag:s24] =	ssyncset.done $0x0  }
0x1c: {  	s26 =	simm.s32 $0x1B8E;
	s25 =	sld [smem:$0x3FFE];
	[sflag:s24] =	ssyncadd.s32 $0xFFFFFFFF  }
0x1d: {  	s27 =	simm.s32 $execute0_lowered;
	[smem:$0x3FD2] =	sst s26  }
0x1e: {  	s5 =	sshll.u32 s27, $0x1;
	_ =	strace $0x80000049;
	[dreg:$0x1] =	wrdreg $0xFFFFFFFF  }
0x1f: {  	s28 =	simm.s32 $_size_execute0_lowered;
	s3 =	sadd.s32 s3, s5;
	[dreg:$0x0] =	wrdreg $0x0  }
0x20: {  	s5 =	sshll.u32 s28, $0x1;
	[dreg:$0x2] =	wrdreg s3  }
0x21: {  	[dreg:$0x3] =	wrdreg s5  }
0x22: {  	[dreg:$0x4] =	wrdreg $0xC0  }
0x23: {  	_ =	task [dreg:s7], $0x5FFFF  }
0x24: {  	[dreg:$0x1] =	wrdreg $0xFFFFFFFF  }
0x25: {  	[dreg:$0x0] =	wrdreg $0x60  }
0x26: {  	[dreg:$0x2] =	wrdreg s25  }
0x27: {  	[dreg:$0x3] =	wrdreg s2  }
0x28: {  	[dreg:$0x4] =	wrdreg $0x9  }
0x29: {  	_ =	task.clear_ibuf [dreg:s7], $0x5FFFF;
	_ =	strace $0x90000049  }
0x2a: {  	s29 =	simm.s32 $0x9;
	_ =	strace $0x8000004B  }
0x2b: {  	_ =	swait.ge [sflag:s29], $0x1  }
0x2c: {  	[sflag:s29] =	ssyncadd.s32 $0xFFFFFFFF  }
0x2d: {  	_ =	strace $0x9000004B  }
0x2e: {  	_ =	sfence  }
0x2f: {  	s30 =	sld [smem:$0x0];
	_ =	sdelay $0x2  }
0x30: {  	s31 =	sshll.u32 s1, $0xD;
	s1 =	sshrl.u32 s1, $0x2  }
0x31: {  	s3 =	sand.u32 $0x4000, s31;
	s1 =	sadd.s32 s1, s30  }
0x32: {  	s0 =	sor.u32 s3, s0;
	s1 =	sshll.u32 s1, $0x11  }
0x33: {  	s0 =	sor.u32 s1, s0  }
0x34: {  	s0 =	sadd.s32 $0x8F2B, s0  }
0x35: {  	[sflag:s0] =	ssyncadd.remote.s32 $0x1  }
0x36: {  	_ =	sfence.sel $0xFFFF  }
0x37: {  	[dreg:$0x0] =	wrdreg $0xFFFFFFFF;
	(pc) =	sbr.abs _section_cstart, $3  }
0x38: {  	[dreg:$0x1] =	wrdreg $0xFFFFFFFF  }
0x39: {  	_ =	task.clear_ibuf [dreg:s7], $0x2FFFF;
	_ =	strace $0x9FFFFFFF  }
0x3a: {  	(tm) =	ssettm $0x7FFFFFFF  }
0x3b: {  	_ =	shalt  }
tec
execute0_lowered:
.L_overlay_start_1:
0x0: {  	(tag) =	ssettag $0x1  }
0x1: {  	s0 =	srdreg.scid  }
0x2: {  	s1 =	sshll.u32 s0, $0x4  }
0x3: {  	s0 =	stileid.u32;
	s1 =	sand.u32 $0x10, s1  }
0x4: {  	s1 =	sor.u32 s0, s1  }
0x5: {  	s6 =	rddreg [dreg:$0x0];
	s4 =	simm.s32 $0x1;
	s2 =	sshll.u32 s1, $0x7  }
0x6: {  	s7 =	simm.s32 $0x2;
	s12 =	simm.s32 $0x0;
	s1 =	ssub.s32 $0x1000, s2  }
0x7: {  	s8 =	simm.s32 $0x8000;
	s13 =	simm.s32 $0x0;
	s3 =	sand.u32 $0xF80, s1  }
0x8: {  	s9 =	simm.s32 $0x0;
	s5 =	sshrl.u32 s1, $0xC;
	p0 =	sne.s32 s3, $0x0  }
.Ltmp0:
0x9: {  	s1 =	rddreg [dreg:$0x2];
	s4 =	simm.s32 @!p0 $0x0;
	(pc) =	sbr.rel .LBB1_1-.Ltmp0, $4  }
0xa: {  	s11 =	simm.s32 $0x0;
	s3 =	rddreg [dreg:$0x1];
	s5 =	sadd.s32 s4, s5  }
0xb: {  	_ =	strace $0x8000004A;
	s4 =	simm.s32 $0x1;
	s5 =	smul.u32 $0x32, s5  }
0xc: {  	s6 =	sadd.s32 $0xD0600, s6;
	s10 =	smov.u32 s2;
	[sflag:s4] =	ssyncpa.u1 $0x0  }
0xd: {  	p0 =	por $0x0, $0x0;
	[sflag:s7] =	ssyncpa.u1 $0x0;
	s7 =	sor.u32 $0x1, s5  }
.LBB1_4:
0xe: {  	s16 =	sshll.u32 s13, $0x3;
	s17 =	sand.u32 $0x78, s13  }
0xf: {  	s30 =	sand.u32 $0x7E00, s13;
	s12 =	sshll.u32 s12, $0xF;
	s16 =	sand.u32 $0xC00, s16  }
0x10: {  	[tilespmem:s15+$0x810 ss:$0x81] =	vst.msk $0xffff, v2;
	s31 =	sand.u32 $0x7, s13;
	s16 =	sor.u32 s17, s16;
	s17 =	sadd.s32 s3, s30  }
0x11: {  	[tilespmem:s15+$0x1020 ss:$0x81] =	vst.msk $0xffff, v0;
	s13 =	sshll.u32 s31, $0x12;
	s12 =	sadd.s32 s12, s17;
	s16 =	sshrl.u32 s16, $0x3  }
0x12: {  	[tilespmem:s15+$0x0 ss:$0x81] =	vst.msk $0xffff, v1;
	s13 =	sor.u32 $0x400, s13;
	s12 =	sadd.s32 s16, s12  }
0x13: {  	[hbm4b:s12+s13] =	stream.strided.scatter [tilespmem:s14], [sflag:$0x2], $0x2000, s8, s13, $0x20;
	[tilespmem:$0x8080] =	vst v63  }
.LBB1_5:
0x14: {  	s14 =	sadd.s32 $0x1, s9  }
0x15: {  	s12 =	sadd.s32 $0x1000, s10;
	s16 =	smov.u32 s10;
	p2 =	sgt.s32 s14, $0x31  }
0x16: {  	s16 =	smov.u32 @p2 s12  }
0x17: {  	s14 =	simm.s32 @p2 $0x0;
	p2 =	sgt.s32 s16, $0xFFF  }
0x18: {  	s16 =	smov.u32 @p2 s2;
	p2 =	sne.s32 s11, s7  }
.Ltmp1:
0x19: {  	p1 =	slt.u32 s11, $0x2;
	(pc) =	sbr.rel @!p2 .LBB1_6-.Ltmp1, $4  }
0x1a: {  	s15 =	simm.s32 @!p1 $0x2  }
0x1b: {  	s13 =	smov.u32 s10;
	p0 =	por !p0, !p0;
	_ =	swait.ge @!p1 [sflag:s15], $0x2000  }
0x1c: {  	s12 =	smov.u32 s9;
	[sflag:s15] =	ssyncset.done @!p1 $0x0;
	s9 =	smov.u32 s14  }
0x1d: {  	s11 =	sadd.s32 $0x1, s11;
	[sflag:s15] =	ssyncadd.s32 @!p1 $0xFFFFE000;
	s10 =	smov.u32 s16  }
.LBB1_1:
0x1e: {  	p1 =	sge.u32 s11, s5  }
0x1f: {  	s14 =	sand.u32 @!p1 $0x1FFFFFF, s9  }
0x20: {  	s15 =	smulhi.u32 @!p1 $0x4924925, s14;
	_ =	sdelay $0x1  }
0x21: {  	s15 =	smul.u32 @!p1 $0x38, s15  }
0x22: {  	s16 =	sxor.u32 @!p1 $0xFFFFFFFF, s11;
	s17 =	smul.u32 @!p1 $0x380, s10  }
0x23: {  	s31 =	sadd.s32 $0xFFFFFFFF, s11;
	s16 =	sshll.u32 @!p1 s16, $0xD;
	s14 =	ssub.s32 @!p1 s14, s15  }
0x24: {  	s15 =	sand.u32 @!p1 $0x2000, s16;
	s16 =	sadd.s32 @!p1 s6, s17;
	s14 =	sshll.u32 @!p1 s14, $0x4  }
0x25: {  	s17 =	simm.s32 @!p1 $0x1C00;
	s14 =	sadd.s32 @!p1 s14, s16;
	s16 =	simm.s32 @!p1 $0x40  }
0x26: {  	[tilespmem:s15], [sflag:$0x1] =	stream.strided.gather @!p1 [hbm4b:s14+s16], $0x2000, s17, s16, $0x38;
	[tilespmem:$0x8080] =	vst v63  }
0x27: {  	p1 =	sge.u32 s31, s5  }
.Ltmp2:
0x28: {  	_ = 	snop;
	(pc) =	sbr.rel @p1 .LBB1_5-.Ltmp2, $1  }
0x29: {  	_ =	sdelay $0x3  }
0x2a: {  	s14 =	simm.s32 $0x1  }
0x2b: {  	_ =	swait.ge [sflag:s4], $0x2000;
	s14 =	simm.s32 @!p0 $0x0  }
0x2c: {  	[sflag:s4] =	ssyncset.done $0x0;
	s15 =	sshll.u32 s14, $0xD  }
0x2d: {  	[sflag:s4] =	ssyncadd.s32 $0xFFFFE000;
	s18 =	sor.u32 $0x20, s15  }
0x2e: {  	s14 =	smul.u32 $0x8100, s14;
	v3 =	vld [tilespmem:s18+$0x10]  }
0x2f: {  	s30 =	sand.u32 $0x1, s11;
	v2 =	vld [tilespmem:s18+$0xFFFFFFF0]  }
0x30: {  	s15 =	smul.u32 $0x8100, s30;
	s14 =	sshrl.u32 s14, $0x2;
	v0 =	vld [tilespmem:s18+$0x0]  }
0x31: {  	v1 =	vld [tilespmem:s18+$0xFFFFFFE0];
	s16 =	sor.u32 $0x4000, s14  }
0x32: {  	s31 =	sshrl.u32 s15, $0x2;
	s15 =	sadd.s32 $0x0, s16  }
0x33: {  	s17 =	simm.s32 $0x4;
	s18 =	sadd.s32 $0x40, s18;
	s14 =	sor.u32 $0x4000, s31;
	[tilespmem:s15+$0x1830 ss:$0x81] =	vst.msk $0xffff, v3  }
.LBB1_3:
0x34: {  	v3 =	vld [tilespmem:s18+$0x10];
	p1 =	sne.s32 s17, $0x1FC;
	[tilespmem:s15+$0x810 ss:$0x81] =	vst.msk $0xffff, v2;
	s19 =	smov.u32 s17;
	s17 =	sadd.s32 $0x4, s17  }
.Ltmp3:
0x35: {  	v2 =	vld [tilespmem:s18+$0xFFFFFFF0];
	[tilespmem:s15+$0x1020 ss:$0x81] =	vst.msk $0xffff, v0;
	(pc) =	sbr.rel @p1 .LBB1_3-.Ltmp3, $4  }
0x36: {  	v0 =	vld [tilespmem:s18+$0x0];
	[tilespmem:s15+$0x0 ss:$0x81] =	vst.msk $0xffff, v1  }
0x37: {  	s15 =	sshra.s32 s19, $0x2;
	v1 =	vld [tilespmem:s18+$0xFFFFFFE0]  }
0x38: {  	s15 =	sadd.s32 s15, s16  }
0x39: {  	s18 =	sadd.s32 $0x40, s18;
	[tilespmem:s15+$0x1830 ss:$0x81] =	vst.msk $0xffff, v3  }
.Ltmp4:
0x3a: {  	_ = 	snop;
	(pc) =	sbr.rel .LBB1_4-.Ltmp4, $1  }
0x3b: {  	_ =	sdelay $0x3  }
.LBB1_6:
0x3c: {  	_ =	sfence.sel $0x180000  }
0x3d: {  	s2 =	simm.s32 $0x1;
	[bflag:$0x0] =	sbarrier.arrive $0xFFFF  }
0x3e: {  	s31 =	simm.s32 $0x2;
	[sflag:s2] =	ssyncpa.u1 $0x1  }
0x3f: {  	[sflag:s31] =	ssyncpa.u1 $0x1  }
0x40: {  	p0 =	sne.s32 s0, $0x0;
	_ =	strace $0x9000004A  }
0x41: {  	s0 =	sadd.s32 @!p0 $0x100000, s1;
	[bflag:$0x2] =	sbarrier.arrive $0xFFFF  }
0x42: {  	[sflag:s0] =	ssyncadd.tile.s32 @!p0 $0x1;
	_ =	shalt  }
.Lfunc_end1:
_tile_overlayer_lowered:
.L_overlay_start_2:
0x43: {  	(tag) =	ssettag $0x2  }
0x44: {  	s0 =	rddreg [dreg:$0x0];
	s2 =	stileid.u32  }
0x45: {  	s1 =	rddreg [dreg:$0x1];
	p0 =	sne.s32 s2, $0x0  }
0x46: {  	s3 =	rddreg [dreg:$0x2];
	[bflag:$0x3] =	sbarrier.arrive $0xFFFF;
	s2 =	simm.s32 @!p0 $0x1C01  }
0x47: {  	[timem:s3], [sflag:s2] =	dma.local @!p0 [hbm:s0], s1  }
0x48: {  	s0 =	simm.s32 @!p0 $0x1  }
0x49: {  	_ =	swait.ge @!p0 [sflag:s0], s1  }
0x4a: {  	s1 =	ssub.s32 @!p0 $0x0, s1;
	[sflag:s0] =	ssyncset.done @!p0 $0x0  }
0x4b: {  	[sflag:s0] =	ssyncadd.s32 @!p0 s1  }
0x4c: {  	[bflag:$0x3] =	sbarrier.arrive $0xFFFF  }
0x4d: {  	_ =	shalt  }

</sc_bundles>
